<compile_context>
chip_gen: v7x
topology: tpu7x:2x2x1
jax: 0.10.2.dev20260603
libtpu: 0.0.44.dev20260713+nightly
codegen_flags: <defaults>
</compile_context>

<pallas_src>
import functools

import jax
import jax.numpy as jnp
from jax import lax
from jax.experimental import pallas as pl
from jax.experimental.pallas import tpu as pltpu
from jax.experimental.pallas import tpu_sc as plsc

BATCH = 16384
NUM_FIELDS = 26
NUM_EMB = 2600000
TBL_SPLIT = 2599936
NUM_WORKERS = 32
ROWS_PER_W = BATCH // NUM_WORKERS
IDX_PER_W = ROWS_PER_W * NUM_FIELDS
F_HALF = NUM_FIELDS // 2
IDX_HALF = F_HALF * ROWS_PER_W


@functools.partial(
    pl.kernel,
    out_type=jax.ShapeDtypeStruct((BATCH,), jnp.float32),
    mesh=plsc.VectorSubcoreMesh(core_axis_name="c", subcore_axis_name="s"),
    scratch_types=[
        pltpu.VMEM((IDX_PER_W,), jnp.int32),
        pltpu.VMEM((IDX_PER_W,), jnp.float32),
        pltpu.VMEM((ROWS_PER_W,), jnp.float32),
        pltpu.VMEM((16,), jnp.float32),
        pltpu.SemaphoreType.DMA,
        pltpu.SemaphoreType.DMA,
        pltpu.SemaphoreType.DMA,
    ],
)
def _emb_sum(x_hbm, table_hbm, bias_hbm, out_hbm, idx_v, vals_v, out_v, bias_v,
             sem1, sem2, sem3):
    wid = lax.axis_index("s") * 2 + lax.axis_index("c")

    col = wid * ROWS_PER_W
    for f in range(F_HALF):
        pltpu.async_copy(
            x_hbm.at[f, pl.ds(col, ROWS_PER_W)],
            idx_v.at[pl.ds(f * ROWS_PER_W, ROWS_PER_W)],
            sem3,
        )
    for f in range(F_HALF):
        pltpu.make_async_copy(
            x_hbm.at[f, pl.ds(col, ROWS_PER_W)],
            idx_v.at[pl.ds(f * ROWS_PER_W, ROWS_PER_W)],
            sem3,
        ).wait()
    g1 = pltpu.async_copy(
        table_hbm.at[idx_v.at[pl.ds(0, IDX_HALF)]],
        vals_v.at[pl.ds(0, IDX_HALF)],
        sem1,
    )
    for f in range(F_HALF, NUM_FIELDS):
        pltpu.async_copy(
            x_hbm.at[f, pl.ds(col, ROWS_PER_W)],
            idx_v.at[pl.ds(f * ROWS_PER_W, ROWS_PER_W)],
            sem3,
        )
    for f in range(F_HALF, NUM_FIELDS):
        pltpu.make_async_copy(
            x_hbm.at[f, pl.ds(col, ROWS_PER_W)],
            idx_v.at[pl.ds(f * ROWS_PER_W, ROWS_PER_W)],
            sem3,
        ).wait()
    pltpu.sync_copy(bias_hbm, bias_v)
    g2 = pltpu.async_copy(
        table_hbm.at[idx_v.at[pl.ds(IDX_HALF, IDX_PER_W - IDX_HALF)]],
        vals_v.at[pl.ds(IDX_HALF, IDX_PER_W - IDX_HALF)],
        sem2,
    )
    bias_vec = bias_v[...]
    g1.wait()

    def accum1(i, _):
        acc0 = bias_vec
        acc1 = vals_v[pl.ds(i * 16, 16)]
        for f in range(1, F_HALF, 2):
            acc0 = acc0 + vals_v[pl.ds(f * ROWS_PER_W + i * 16, 16)]
        for f in range(2, F_HALF, 2):
            acc1 = acc1 + vals_v[pl.ds(f * ROWS_PER_W + i * 16, 16)]
        out_v[pl.ds(i * 16, 16)] = acc0 + acc1
        return 0

    lax.fori_loop(0, ROWS_PER_W // 16, accum1, 0)
    g2.wait()

    def accum2(i, _):
        acc0 = out_v[pl.ds(i * 16, 16)]
        acc1 = vals_v[pl.ds(F_HALF * ROWS_PER_W + i * 16, 16)]
        for f in range(F_HALF + 1, NUM_FIELDS, 2):
            acc0 = acc0 + vals_v[pl.ds(f * ROWS_PER_W + i * 16, 16)]
        for f in range(F_HALF + 2, NUM_FIELDS, 2):
            acc1 = acc1 + vals_v[pl.ds(f * ROWS_PER_W + i * 16, 16)]
        out_v[pl.ds(i * 16, 16)] = acc0 + acc1
        return 0

    lax.fori_loop(0, ROWS_PER_W // 16, accum2, 0)
    pltpu.sync_copy(out_v, out_hbm.at[pl.ds(wid * ROWS_PER_W, ROWS_PER_W)])


def kernel(x, table, bias):
    table_lin = jnp.concatenate(
        [
            table[:TBL_SPLIT].reshape(-1),
            table[TBL_SPLIT:].reshape(-1),
        ]
    )
    xw = x.T
    out = _emb_sum(xw, table_lin, jnp.broadcast_to(bias, (16,)))
    return out.reshape(BATCH, 1)

# --- scband reference (transcript-rebuilt; emitter-appended) ---
"""Pipeline reference for scband-features-linear-41145786696212 (READ-ONLY COPY).

The authoritative reference and input builder live on the scoring server;
editing this copy changes nothing except your own understanding.
"""

import jax, jax.numpy as jnp
import numpy as np

BATCH = 16384
NUM_FIELDS = 26
NUM_EMBEDDINGS = 2600000  # sum(field_dims) = 26 * 100000
OUTPUT_DIM = 1


def setup_inputs(seed: int = 0) -> dict:
    key = jax.random.key(seed)
    k1, k2 = jax.random.split(key)
    x = jax.random.randint(k1, (BATCH, NUM_FIELDS), 0, NUM_EMBEDDINGS, dtype=jnp.int32)
    table = jax.random.normal(k2, (NUM_EMBEDDINGS, OUTPUT_DIM), dtype=jnp.float32) * 0.01
    # padding_idx=0: row 0 is zeroed at init (as torch.nn.Embedding does)
    table = table.at[0].set(0.0)
    bias = jnp.zeros((OUTPUT_DIM,), dtype=jnp.float32)
    return {"x": x, "table": table, "bias": bias}


def reference(x, table, bias):
    # torch: torch.sum(self.fc(x), dim=1) + self.bias
    emb = jnp.take(table, x, axis=0)  # [B, F, output_dim]
    return jnp.sum(emb, axis=1) + bias  # [B, output_dim]

if __name__ == "__main__":
    import jax
    _d = setup_inputs()
    print(jax.jit(kernel)(*tuple(_d.values())))

</pallas_src>

<mosaic_0001>
#map = affine_map<(d0, d1) -> (0, 0)>
#map1 = affine_map<(d0, d1) -> (0)>
module attributes {stable_mosaic.version = 14 : i64} {
  func.func @_emb_sum(%arg0: i32, %arg1: i32, %arg2: memref<26x16384xi32, #tpu.memory_space<hbm>>, %arg3: memref<2600000xf32, #tpu.memory_space<hbm>>, %arg4: memref<16xf32, #tpu.memory_space<hbm>>, %arg5: memref<16384xf32, #tpu.memory_space<hbm>>, %arg6: memref<13312xi32, #tpu.memory_space<vmem>>, %arg7: memref<13312xf32, #tpu.memory_space<vmem>>, %arg8: memref<512xf32, #tpu.memory_space<vmem>>, %arg9: memref<16xf32, #tpu.memory_space<vmem>>, %arg10: memref<!tpu.dma_semaphore, #tpu.memory_space<semaphore_mem>>, %arg11: memref<!tpu.dma_semaphore, #tpu.memory_space<semaphore_mem>>, %arg12: memref<!tpu.dma_semaphore, #tpu.memory_space<semaphore_mem>>) attributes {dimension_semantics = [#tpu.dimension_semantics<core_parallel>, #tpu.dimension_semantics<subcore_parallel>], iteration_bounds = array<i64: 2, 16>, scalar_prefetch = 0 : i64, scratch_operands = 7 : i64, tpu.core_type = #tpu.core_type<sc_vector_subcore>, window_params = [{transform_indices = #map}, {transform_indices = #map1}, {transform_indices = #map1}, {transform_indices = #map1}]} {
    %mul3A = arith.constant 2 : i32
    %mul3A_0 = arith.muli %arg1, %mul3A : i32
    %add3A = arith.addi %mul3A_0, %arg0 : i32
    %mul3A_1 = arith.constant 512 : i32
    %mul3A_2 = arith.muli %add3A, %mul3A_1 : i32
    %dma_start3A = arith.constant 0 : i32
    %dma_start3A_3 = arith.constant 0 : i32
    %dma_start3A_4 = tpu.memref_slice %arg6[%dma_start3A_3] : memref<13312xi32, #tpu.memory_space<vmem>> -> memref<512xi32, #tpu.memory_space<vmem>>
    %dma_start3A_5 = tpu.memref_slice %arg2[%dma_start3A, %mul3A_2] : memref<26x16384xi32, #tpu.memory_space<hbm>> -> memref<1x512xi32, #tpu.memory_space<hbm>>
    %dma_start3A_6 = tpu.memref_squeeze %dma_start3A_5 : memref<1x512xi32, #tpu.memory_space<hbm>> -> memref<512xi32, #tpu.memory_space<hbm>>
    %dma_start3A_7 = arith.constant 0 : i32
    %dma_start3A_8 = tpu.memref_slice %arg6[%dma_start3A_7] : memref<13312xi32, #tpu.memory_space<vmem>> -> memref<512xi32, #tpu.memory_space<vmem>>
    %dma_start3A_9 = tpu.memref_slice %arg2[%dma_start3A, %mul3A_2] : memref<26x16384xi32, #tpu.memory_space<hbm>> -> memref<1x512xi32, #tpu.memory_space<hbm>>
    %dma_start3A_10 = tpu.memref_squeeze %dma_start3A_9 : memref<1x512xi32, #tpu.memory_space<hbm>> -> memref<512xi32, #tpu.memory_space<hbm>>
    tpu.enqueue_dma source(%dma_start3A_10 : memref<512xi32, #tpu.memory_space<hbm>>) target(%dma_start3A_8 : memref<512xi32, #tpu.memory_space<vmem>>) target_semaphore(%arg12 : memref<!tpu.dma_semaphore, #tpu.memory_space<semaphore_mem>>)
    %dma_start3A_11 = arith.constant 1 : i32
    %dma_start3A_12 = arith.constant 512 : i32
    %dma_start3A_13 = tpu.memref_slice %arg6[%dma_start3A_12] : memref<13312xi32, #tpu.memory_space<vmem>> -> memref<512xi32, #tpu.memory_space<vmem>>
    %dma_start3A_14 = tpu.memref_slice %arg2[%dma_start3A_11, %mul3A_2] : memref<26x16384xi32, #tpu.memory_space<hbm>> -> memref<1x512xi32, #tpu.memory_space<hbm>>
    %dma_start3A_15 = tpu.memref_squeeze %dma_start3A_14 : memref<1x512xi32, #tpu.memory_space<hbm>> -> memref<512xi32, #tpu.memory_space<hbm>>
    %dma_start3A_16 = arith.constant 512 : i32
    %dma_start3A_17 = tpu.memref_slice %arg6[%dma_start3A_16] : memref<13312xi32, #tpu.memory_space<vmem>> -> memref<512xi32, #tpu.memory_space<vmem>>
    %dma_start3A_18 = tpu.memref_slice %arg2[%dma_start3A_11, %mul3A_2] : memref<26x16384xi32, #tpu.memory_space<hbm>> -> memref<1x512xi32, #tpu.memory_space<hbm>>
    %dma_start3A_19 = tpu.memref_squeeze %dma_start3A_18 : memref<1x512xi32, #tpu.memory_space<hbm>> -> memref<512xi32, #tpu.memory_space<hbm>>
    tpu.enqueue_dma source(%dma_start3A_19 : memref<512xi32, #tpu.memory_space<hbm>>) target(%dma_start3A_17 : memref<512xi32, #tpu.memory_space<vmem>>) target_semaphore(%arg12 : memref<!tpu.dma_semaphore, #tpu.memory_space<semaphore_mem>>)
    %dma_start3A_20 = arith.constant 2 : i32
    %dma_start3A_21 = arith.constant 1024 : i32
    %dma_start3A_22 = tpu.memref_slice %arg6[%dma_start3A_21] : memref<13312xi32, #tpu.memory_space<vmem>> -> memref<512xi32, #tpu.memory_space<vmem>>
    %dma_start3A_23 = tpu.memref_slice %arg2[%dma_start3A_20, %mul3A_2] : memref<26x16384xi32, #tpu.memory_space<hbm>> -> memref<1x512xi32, #tpu.memory_space<hbm>>
    %dma_start3A_24 = tpu.memref_squeeze %dma_start3A_23 : memref<1x512xi32, #tpu.memory_space<hbm>> -> memref<512xi32, #tpu.memory_space<hbm>>
    %dma_start3A_25 = arith.constant 1024 : i32
    %dma_start3A_26 = tpu.memref_slice %arg6[%dma_start3A_25] : memref<13312xi32, #tpu.memory_space<vmem>> -> memref<512xi32, #tpu.memory_space<vmem>>
    %dma_start3A_27 = tpu.memref_slice %arg2[%dma_start3A_20, %mul3A_2] : memref<26x16384xi32, #tpu.memory_space<hbm>> -> memref<1x512xi32, #tpu.memory_space<hbm>>
    %dma_start3A_28 = tpu.memref_squeeze %dma_start3A_27 : memref<1x512xi32, #tpu.memory_space<hbm>> -> memref<512xi32, #tpu.memory_space<hbm>>
    tpu.enqueue_dma source(%dma_start3A_28 : memref<512xi32, #tpu.memory_space<hbm>>) target(%dma_start3A_26 : memref<512xi32, #tpu.memory_space<vmem>>) target_semaphore(%arg12 : memref<!tpu.dma_semaphore, #tpu.memory_space<semaphore_mem>>)
    %dma_start3A_29 = arith.constant 3 : i32
    %dma_start3A_30 = arith.constant 1536 : i32
    %dma_start3A_31 = tpu.memref_slice %arg6[%dma_start3A_30] : memref<13312xi32, #tpu.memory_space<vmem>> -> memref<512xi32, #tpu.memory_space<vmem>>
    %dma_start3A_32 = tpu.memref_slice %arg2[%dma_start3A_29, %mul3A_2] : memref<26x16384xi32, #tpu.memory_space<hbm>> -> memref<1x512xi32, #tpu.memory_space<hbm>>
    %dma_start3A_33 = tpu.memref_squeeze %dma_start3A_32 : memref<1x512xi32, #tpu.memory_space<hbm>> -> memref<512xi32, #tpu.memory_space<hbm>>
    %dma_start3A_34 = arith.constant 1536 : i32
    %dma_start3A_35 = tpu.memref_slice %arg6[%dma_start3A_34] : memref<13312xi32, #tpu.memory_space<vmem>> -> memref<512xi32, #tpu.memory_space<vmem>>
    %dma_start3A_36 = tpu.memref_slice %arg2[%dma_start3A_29, %mul3A_2] : memref<26x16384xi32, #tpu.memory_space<hbm>> -> memref<1x512xi32, #tpu.memory_space<hbm>>
    %dma_start3A_37 = tpu.memref_squeeze %dma_start3A_36 : memref<1x512xi32, #tpu.memory_space<hbm>> -> memref<512xi32, #tpu.memory_space<hbm>>
    tpu.enqueue_dma source(%dma_start3A_37 : memref<512xi32, #tpu.memory_space<hbm>>) target(%dma_start3A_35 : memref<512xi32, #tpu.memory_space<vmem>>) target_semaphore(%arg12 : memref<!tpu.dma_semaphore, #tpu.memory_space<semaphore_mem>>)
    %dma_start3A_38 = arith.constant 4 : i32
    %dma_start3A_39 = arith.constant 2048 : i32
    %dma_start3A_40 = tpu.memref_slice %arg6[%dma_start3A_39] : memref<13312xi32, #tpu.memory_space<vmem>> -> memref<512xi32, #tpu.memory_space<vmem>>
    %dma_start3A_41 = tpu.memref_slice %arg2[%dma_start3A_38, %mul3A_2] : memref<26x16384xi32, #tpu.memory_space<hbm>> -> memref<1x512xi32, #tpu.memory_space<hbm>>
    %dma_start3A_42 = tpu.memref_squeeze %dma_start3A_41 : memref<1x512xi32, #tpu.memory_space<hbm>> -> memref<512xi32, #tpu.memory_space<hbm>>
    %dma_start3A_43 = arith.constant 2048 : i32
    %dma_start3A_44 = tpu.memref_slice %arg6[%dma_start3A_43] : memref<13312xi32, #tpu.memory_space<vmem>> -> memref<512xi32, #tpu.memory_space<vmem>>
    %dma_start3A_45 = tpu.memref_slice %arg2[%dma_start3A_38, %mul3A_2] : memref<26x16384xi32, #tpu.memory_space<hbm>> -> memref<1x512xi32, #tpu.memory_space<hbm>>
    %dma_start3A_46 = tpu.memref_squeeze %dma_start3A_45 : memref<1x512xi32, #tpu.memory_space<hbm>> -> memref<512xi32, #tpu.memory_space<hbm>>
    tpu.enqueue_dma source(%dma_start3A_46 : memref<512xi32, #tpu.memory_space<hbm>>) target(%dma_start3A_44 : memref<512xi32, #tpu.memory_space<vmem>>) target_semaphore(%arg12 : memref<!tpu.dma_semaphore, #tpu.memory_space<semaphore_mem>>)
    %dma_start3A_47 = arith.constant 5 : i32
    %dma_start3A_48 = arith.constant 2560 : i32
    %dma_start3A_49 = tpu.memref_slice %arg6[%dma_start3A_48] : memref<13312xi32, #tpu.memory_space<vmem>> -> memref<512xi32, #tpu.memory_space<vmem>>
    %dma_start3A_50 = tpu.memref_slice %arg2[%dma_start3A_47, %mul3A_2] : memref<26x16384xi32, #tpu.memory_space<hbm>> -> memref<1x512xi32, #tpu.memory_space<hbm>>
    %dma_start3A_51 = tpu.memref_squeeze %dma_start3A_50 : memref<1x512xi32, #tpu.memory_space<hbm>> -> memref<512xi32, #tpu.memory_space<hbm>>
    %dma_start3A_52 = arith.constant 2560 : i32
    %dma_start3A_53 = tpu.memref_slice %arg6[%dma_start3A_52] : memref<13312xi32, #tpu.memory_space<vmem>> -> memref<512xi32, #tpu.memory_space<vmem>>
    %dma_start3A_54 = tpu.memref_slice %arg2[%dma_start3A_47, %mul3A_2] : memref<26x16384xi32, #tpu.memory_space<hbm>> -> memref<1x512xi32, #tpu.memory_space<hbm>>
    %dma_start3A_55 = tpu.memref_squeeze %dma_start3A_54 : memref<1x512xi32, #tpu.memory_space<hbm>> -> memref<512xi32, #tpu.memory_space<hbm>>
    tpu.enqueue_dma source(%dma_start3A_55 : memref<512xi32, #tpu.memory_space<hbm>>) target(%dma_start3A_53 : memref<512xi32, #tpu.memory_space<vmem>>) target_semaphore(%arg12 : memref<!tpu.dma_semaphore, #tpu.memory_space<semaphore_mem>>)
    %dma_start3A_56 = arith.constant 6 : i32
    %dma_start3A_57 = arith.constant 3072 : i32
    %dma_start3A_58 = tpu.memref_slice %arg6[%dma_start3A_57] : memref<13312xi32, #tpu.memory_space<vmem>> -> memref<512xi32, #tpu.memory_space<vmem>>
    %dma_start3A_59 = tpu.memref_slice %arg2[%dma_start3A_56, %mul3A_2] : memref<26x16384xi32, #tpu.memory_space<hbm>> -> memref<1x512xi32, #tpu.memory_space<hbm>>
    %dma_start3A_60 = tpu.memref_squeeze %dma_start3A_59 : memref<1x512xi32, #tpu.memory_space<hbm>> -> memref<512xi32, #tpu.memory_space<hbm>>
    %dma_start3A_61 = arith.constant 3072 : i32
    %dma_start3A_62 = tpu.memref_slice %arg6[%dma_start3A_61] : memref<13312xi32, #tpu.memory_space<vmem>> -> memref<512xi32, #tpu.memory_space<vmem>>
    %dma_start3A_63 = tpu.memref_slice %arg2[%dma_start3A_56, %mul3A_2] : memref<26x16384xi32, #tpu.memory_space<hbm>> -> memref<1x512xi32, #tpu.memory_space<hbm>>
    %dma_start3A_64 = tpu.memref_squeeze %dma_start3A_63 : memref<1x512xi32, #tpu.memory_space<hbm>> -> memref<512xi32, #tpu.memory_space<hbm>>
    tpu.enqueue_dma source(%dma_start3A_64 : memref<512xi32, #tpu.memory_space<hbm>>) target(%dma_start3A_62 : memref<512xi32, #tpu.memory_space<vmem>>) target_semaphore(%arg12 : memref<!tpu.dma_semaphore, #tpu.memory_space<semaphore_mem>>)
    %dma_start3A_65 = arith.constant 7 : i32
    %dma_start3A_66 = arith.constant 3584 : i32
    %dma_start3A_67 = tpu.memref_slice %arg6[%dma_start3A_66] : memref<13312xi32, #tpu.memory_space<vmem>> -> memref<512xi32, #tpu.memory_space<vmem>>
    %dma_start3A_68 = tpu.memref_slice %arg2[%dma_start3A_65, %mul3A_2] : memref<26x16384xi32, #tpu.memory_space<hbm>> -> memref<1x512xi32, #tpu.memory_space<hbm>>
    %dma_start3A_69 = tpu.memref_squeeze %dma_start3A_68 : memref<1x512xi32, #tpu.memory_space<hbm>> -> memref<512xi32, #tpu.memory_space<hbm>>
    %dma_start3A_70 = arith.constant 3584 : i32
    %dma_start3A_71 = tpu.memref_slice %arg6[%dma_start3A_70] : memref<13312xi32, #tpu.memory_space<vmem>> -> memref<512xi32, #tpu.memory_space<vmem>>
    %dma_start3A_72 = tpu.memref_slice %arg2[%dma_start3A_65, %mul3A_2] : memref<26x16384xi32, #tpu.memory_space<hbm>> -> memref<1x512xi32, #tpu.memory_space<hbm>>
    %dma_start3A_73 = tpu.memref_squeeze %dma_start3A_72 : memref<1x512xi32, #tpu.memory_space<hbm>> -> memref<512xi32, #tpu.memory_space<hbm>>
    tpu.enqueue_dma source(%dma_start3A_73 : memref<512xi32, #tpu.memory_space<hbm>>) target(%dma_start3A_71 : memref<512xi32, #tpu.memory_space<vmem>>) target_semaphore(%arg12 : memref<!tpu.dma_semaphore, #tpu.memory_space<semaphore_mem>>)
    %dma_start3A_74 = arith.constant 8 : i32
    %dma_start3A_75 = arith.constant 4096 : i32
    %dma_start3A_76 = tpu.memref_slice %arg6[%dma_start3A_75] : memref<13312xi32, #tpu.memory_space<vmem>> -> memref<512xi32, #tpu.memory_space<vmem>>
    %dma_start3A_77 = tpu.memref_slice %arg2[%dma_start3A_74, %mul3A_2] : memref<26x16384xi32, #tpu.memory_space<hbm>> -> memref<1x512xi32, #tpu.memory_space<hbm>>
    %dma_start3A_78 = tpu.memref_squeeze %dma_start3A_77 : memref<1x512xi32, #tpu.memory_space<hbm>> -> memref<512xi32, #tpu.memory_space<hbm>>
    %dma_start3A_79 = arith.constant 4096 : i32
    %dma_start3A_80 = tpu.memref_slice %arg6[%dma_start3A_79] : memref<13312xi32, #tpu.memory_space<vmem>> -> memref<512xi32, #tpu.memory_space<vmem>>
    %dma_start3A_81 = tpu.memref_slice %arg2[%dma_start3A_74, %mul3A_2] : memref<26x16384xi32, #tpu.memory_space<hbm>> -> memref<1x512xi32, #tpu.memory_space<hbm>>
    %dma_start3A_82 = tpu.memref_squeeze %dma_start3A_81 : memref<1x512xi32, #tpu.memory_space<hbm>> -> memref<512xi32, #tpu.memory_space<hbm>>
    tpu.enqueue_dma source(%dma_start3A_82 : memref<512xi32, #tpu.memory_space<hbm>>) target(%dma_start3A_80 : memref<512xi32, #tpu.memory_space<vmem>>) target_semaphore(%arg12 : memref<!tpu.dma_semaphore, #tpu.memory_space<semaphore_mem>>)
    %dma_start3A_83 = arith.constant 9 : i32
    %dma_start3A_84 = arith.constant 4608 : i32
    %dma_start3A_85 = tpu.memref_slice %arg6[%dma_start3A_84] : memref<13312xi32, #tpu.memory_space<vmem>> -> memref<512xi32, #tpu.memory_space<vmem>>
    %dma_start3A_86 = tpu.memref_slice %arg2[%dma_start3A_83, %mul3A_2] : memref<26x16384xi32, #tpu.memory_space<hbm>> -> memref<1x512xi32, #tpu.memory_space<hbm>>
    %dma_start3A_87 = tpu.memref_squeeze %dma_start3A_86 : memref<1x512xi32, #tpu.memory_space<hbm>> -> memref<512xi32, #tpu.memory_space<hbm>>
    %dma_start3A_88 = arith.constant 4608 : i32
    %dma_start3A_89 = tpu.memref_slice %arg6[%dma_start3A_88] : memref<13312xi32, #tpu.memory_space<vmem>> -> memref<512xi32, #tpu.memory_space<vmem>>
    %dma_start3A_90 = tpu.memref_slice %arg2[%dma_start3A_83, %mul3A_2] : memref<26x16384xi32, #tpu.memory_space<hbm>> -> memref<1x512xi32, #tpu.memory_space<hbm>>
    %dma_start3A_91 = tpu.memref_squeeze %dma_start3A_90 : memref<1x512xi32, #tpu.memory_space<hbm>> -> memref<512xi32, #tpu.memory_space<hbm>>
    tpu.enqueue_dma source(%dma_start3A_91 : memref<512xi32, #tpu.memory_space<hbm>>) target(%dma_start3A_89 : memref<512xi32, #tpu.memory_space<vmem>>) target_semaphore(%arg12 : memref<!tpu.dma_semaphore, #tpu.memory_space<semaphore_mem>>)
    %dma_start3A_92 = arith.constant 10 : i32
    %dma_start3A_93 = arith.constant 5120 : i32
    %dma_start3A_94 = tpu.memref_slice %arg6[%dma_start3A_93] : memref<13312xi32, #tpu.memory_space<vmem>> -> memref<512xi32, #tpu.memory_space<vmem>>
    %dma_start3A_95 = tpu.memref_slice %arg2[%dma_start3A_92, %mul3A_2] : memref<26x16384xi32, #tpu.memory_space<hbm>> -> memref<1x512xi32, #tpu.memory_space<hbm>>
    %dma_start3A_96 = tpu.memref_squeeze %dma_start3A_95 : memref<1x512xi32, #tpu.memory_space<hbm>> -> memref<512xi32, #tpu.memory_space<hbm>>
    %dma_start3A_97 = arith.constant 5120 : i32
    %dma_start3A_98 = tpu.memref_slice %arg6[%dma_start3A_97] : memref<13312xi32, #tpu.memory_space<vmem>> -> memref<512xi32, #tpu.memory_space<vmem>>
    %dma_start3A_99 = tpu.memref_slice %arg2[%dma_start3A_92, %mul3A_2] : memref<26x16384xi32, #tpu.memory_space<hbm>> -> memref<1x512xi32, #tpu.memory_space<hbm>>
    %dma_start3A_100 = tpu.memref_squeeze %dma_start3A_99 : memref<1x512xi32, #tpu.memory_space<hbm>> -> memref<512xi32, #tpu.memory_space<hbm>>
    tpu.enqueue_dma source(%dma_start3A_100 : memref<512xi32, #tpu.memory_space<hbm>>) target(%dma_start3A_98 : memref<512xi32, #tpu.memory_space<vmem>>) target_semaphore(%arg12 : memref<!tpu.dma_semaphore, #tpu.memory_space<semaphore_mem>>)
    %dma_start3A_101 = arith.constant 11 : i32
    %dma_start3A_102 = arith.constant 5632 : i32
    %dma_start3A_103 = tpu.memref_slice %arg6[%dma_start3A_102] : memref<13312xi32, #tpu.memory_space<vmem>> -> memref<512xi32, #tpu.memory_space<vmem>>
    %dma_start3A_104 = tpu.memref_slice %arg2[%dma_start3A_101, %mul3A_2] : memref<26x16384xi32, #tpu.memory_space<hbm>> -> memref<1x512xi32, #tpu.memory_space<hbm>>
    %dma_start3A_105 = tpu.memref_squeeze %dma_start3A_104 : memref<1x512xi32, #tpu.memory_space<hbm>> -> memref<512xi32, #tpu.memory_space<hbm>>
    %dma_start3A_106 = arith.constant 5632 : i32
    %dma_start3A_107 = tpu.memref_slice %arg6[%dma_start3A_106] : memref<13312xi32, #tpu.memory_space<vmem>> -> memref<512xi32, #tpu.memory_space<vmem>>
    %dma_start3A_108 = tpu.memref_slice %arg2[%dma_start3A_101, %mul3A_2] : memref<26x16384xi32, #tpu.memory_space<hbm>> -> memref<1x512xi32, #tpu.memory_space<hbm>>
    %dma_start3A_109 = tpu.memref_squeeze %dma_start3A_108 : memref<1x512xi32, #tpu.memory_space<hbm>> -> memref<512xi32, #tpu.memory_space<hbm>>
    tpu.enqueue_dma source(%dma_start3A_109 : memref<512xi32, #tpu.memory_space<hbm>>) target(%dma_start3A_107 : memref<512xi32, #tpu.memory_space<vmem>>) target_semaphore(%arg12 : memref<!tpu.dma_semaphore, #tpu.memory_space<semaphore_mem>>)
    %dma_start3A_110 = arith.constant 12 : i32
    %dma_start3A_111 = arith.constant 6144 : i32
    %dma_start3A_112 = tpu.memref_slice %arg6[%dma_start3A_111] : memref<13312xi32, #tpu.memory_space<vmem>> -> memref<512xi32, #tpu.memory_space<vmem>>
    %dma_start3A_113 = tpu.memref_slice %arg2[%dma_start3A_110, %mul3A_2] : memref<26x16384xi32, #tpu.memory_space<hbm>> -> memref<1x512xi32, #tpu.memory_space<hbm>>
    %dma_start3A_114 = tpu.memref_squeeze %dma_start3A_113 : memref<1x512xi32, #tpu.memory_space<hbm>> -> memref<512xi32, #tpu.memory_space<hbm>>
    %dma_start3A_115 = arith.constant 6144 : i32
    %dma_start3A_116 = tpu.memref_slice %arg6[%dma_start3A_115] : memref<13312xi32, #tpu.memory_space<vmem>> -> memref<512xi32, #tpu.memory_space<vmem>>
    %dma_start3A_117 = tpu.memref_slice %arg2[%dma_start3A_110, %mul3A_2] : memref<26x16384xi32, #tpu.memory_space<hbm>> -> memref<1x512xi32, #tpu.memory_space<hbm>>
    %dma_start3A_118 = tpu.memref_squeeze %dma_start3A_117 : memref<1x512xi32, #tpu.memory_space<hbm>> -> memref<512xi32, #tpu.memory_space<hbm>>
    tpu.enqueue_dma source(%dma_start3A_118 : memref<512xi32, #tpu.memory_space<hbm>>) target(%dma_start3A_116 : memref<512xi32, #tpu.memory_space<vmem>>) target_semaphore(%arg12 : memref<!tpu.dma_semaphore, #tpu.memory_space<semaphore_mem>>)
    %dma_wait3A = arith.constant 0 : i32
    %dma_wait3A_119 = arith.constant 0 : i32
    %dma_wait3A_120 = tpu.memref_slice %arg6[%dma_wait3A_119] : memref<13312xi32, #tpu.memory_space<vmem>> -> memref<512xi32, #tpu.memory_space<vmem>>
    %dma_wait3A_121 = tpu.memref_slice %arg2[%dma_wait3A, %mul3A_2] : memref<26x16384xi32, #tpu.memory_space<hbm>> -> memref<1x512xi32, #tpu.memory_space<hbm>>
    %dma_wait3A_122 = tpu.memref_squeeze %dma_wait3A_121 : memref<1x512xi32, #tpu.memory_space<hbm>> -> memref<512xi32, #tpu.memory_space<hbm>>
    %dma_wait3A_123 = arith.constant 0 : i32
    %dma_wait3A_124 = tpu.memref_slice %arg6[%dma_wait3A_123] : memref<13312xi32, #tpu.memory_space<vmem>> -> memref<512xi32, #tpu.memory_space<vmem>>
    %dma_wait3A_125 = tpu.memref_slice %arg2[%dma_wait3A, %mul3A_2] : memref<26x16384xi32, #tpu.memory_space<hbm>> -> memref<1x512xi32, #tpu.memory_space<hbm>>
    %dma_wait3A_126 = tpu.memref_squeeze %dma_wait3A_125 : memref<1x512xi32, #tpu.memory_space<hbm>> -> memref<512xi32, #tpu.memory_space<hbm>>
    tpu.wait_dma2 semaphore(%arg12 : memref<!tpu.dma_semaphore, #tpu.memory_space<semaphore_mem>>) src(%dma_wait3A_126 : memref<512xi32, #tpu.memory_space<hbm>>) dst(%dma_wait3A_124 : memref<512xi32, #tpu.memory_space<vmem>>)
    %dma_wait3A_127 = arith.constant 1 : i32
    %dma_wait3A_128 = arith.constant 512 : i32
    %dma_wait3A_129 = tpu.memref_slice %arg6[%dma_wait3A_128] : memref<13312xi32, #tpu.memory_space<vmem>> -> memref<512xi32, #tpu.memory_space<vmem>>
    %dma_wait3A_130 = tpu.memref_slice %arg2[%dma_wait3A_127, %mul3A_2] : memref<26x16384xi32, #tpu.memory_space<hbm>> -> memref<1x512xi32, #tpu.memory_space<hbm>>
    %dma_wait3A_131 = tpu.memref_squeeze %dma_wait3A_130 : memref<1x512xi32, #tpu.memory_space<hbm>> -> memref<512xi32, #tpu.memory_space<hbm>>
    %dma_wait3A_132 = arith.constant 512 : i32
    %dma_wait3A_133 = tpu.memref_slice %arg6[%dma_wait3A_132] : memref<13312xi32, #tpu.memory_space<vmem>> -> memref<512xi32, #tpu.memory_space<vmem>>
    %dma_wait3A_134 = tpu.memref_slice %arg2[%dma_wait3A_127, %mul3A_2] : memref<26x16384xi32, #tpu.memory_space<hbm>> -> memref<1x512xi32, #tpu.memory_space<hbm>>
    %dma_wait3A_135 = tpu.memref_squeeze %dma_wait3A_134 : memref<1x512xi32, #tpu.memory_space<hbm>> -> memref<512xi32, #tpu.memory_space<hbm>>
    tpu.wait_dma2 semaphore(%arg12 : memref<!tpu.dma_semaphore, #tpu.memory_space<semaphore_mem>>) src(%dma_wait3A_135 : memref<512xi32, #tpu.memory_space<hbm>>) dst(%dma_wait3A_133 : memref<512xi32, #tpu.memory_space<vmem>>)
    %dma_wait3A_136 = arith.constant 2 : i32
    %dma_wait3A_137 = arith.constant 1024 : i32
    %dma_wait3A_138 = tpu.memref_slice %arg6[%dma_wait3A_137] : memref<13312xi32, #tpu.memory_space<vmem>> -> memref<512xi32, #tpu.memory_space<vmem>>
    %dma_wait3A_139 = tpu.memref_slice %arg2[%dma_wait3A_136, %mul3A_2] : memref<26x16384xi32, #tpu.memory_space<hbm>> -> memref<1x512xi32, #tpu.memory_space<hbm>>
    %dma_wait3A_140 = tpu.memref_squeeze %dma_wait3A_139 : memref<1x512xi32, #tpu.memory_space<hbm>> -> memref<512xi32, #tpu.memory_space<hbm>>
    %dma_wait3A_141 = arith.constant 1024 : i32
    %dma_wait3A_142 = tpu.memref_slice %arg6[%dma_wait3A_141] : memref<13312xi32, #tpu.memory_space<vmem>> -> memref<512xi32, #tpu.memory_space<vmem>>
    %dma_wait3A_143 = tpu.memref_slice %arg2[%dma_wait3A_136, %mul3A_2] : memref<26x16384xi32, #tpu.memory_space<hbm>> -> memref<1x512xi32, #tpu.memory_space<hbm>>
    %dma_wait3A_144 = tpu.memref_squeeze %dma_wait3A_143 : memref<1x512xi32, #tpu.memory_space<hbm>> -> memref<512xi32, #tpu.memory_space<hbm>>
    tpu.wait_dma2 semaphore(%arg12 : memref<!tpu.dma_semaphore, #tpu.memory_space<semaphore_mem>>) src(%dma_wait3A_144 : memref<512xi32, #tpu.memory_space<hbm>>) dst(%dma_wait3A_142 : memref<512xi32, #tpu.memory_space<vmem>>)
    %dma_wait3A_145 = arith.constant 3 : i32
    %dma_wait3A_146 = arith.constant 1536 : i32
    %dma_wait3A_147 = tpu.memref_slice %arg6[%dma_wait3A_146] : memref<13312xi32, #tpu.memory_space<vmem>> -> memref<512xi32, #tpu.memory_space<vmem>>
    %dma_wait3A_148 = tpu.memref_slice %arg2[%dma_wait3A_145, %mul3A_2] : memref<26x16384xi32, #tpu.memory_space<hbm>> -> memref<1x512xi32, #tpu.memory_space<hbm>>
    %dma_wait3A_149 = tpu.memref_squeeze %dma_wait3A_148 : memref<1x512xi32, #tpu.memory_space<hbm>> -> memref<512xi32, #tpu.memory_space<hbm>>
    %dma_wait3A_150 = arith.constant 1536 : i32
    %dma_wait3A_151 = tpu.memref_slice %arg6[%dma_wait3A_150] : memref<13312xi32, #tpu.memory_space<vmem>> -> memref<512xi32, #tpu.memory_space<vmem>>
    %dma_wait3A_152 = tpu.memref_slice %arg2[%dma_wait3A_145, %mul3A_2] : memref<26x16384xi32, #tpu.memory_space<hbm>> -> memref<1x512xi32, #tpu.memory_space<hbm>>
    %dma_wait3A_153 = tpu.memref_squeeze %dma_wait3A_152 : memref<1x512xi32, #tpu.memory_space<hbm>> -> memref<512xi32, #tpu.memory_space<hbm>>
    tpu.wait_dma2 semaphore(%arg12 : memref<!tpu.dma_semaphore, #tpu.memory_space<semaphore_mem>>) src(%dma_wait3A_153 : memref<512xi32, #tpu.memory_space<hbm>>) dst(%dma_wait3A_151 : memref<512xi32, #tpu.memory_space<vmem>>)
    %dma_wait3A_154 = arith.constant 4 : i32
    %dma_wait3A_155 = arith.constant 2048 : i32
    %dma_wait3A_156 = tpu.memref_slice %arg6[%dma_wait3A_155] : memref<13312xi32, #tpu.memory_space<vmem>> -> memref<512xi32, #tpu.memory_space<vmem>>
    %dma_wait3A_157 = tpu.memref_slice %arg2[%dma_wait3A_154, %mul3A_2] : memref<26x16384xi32, #tpu.memory_space<hbm>> -> memref<1x512xi32, #tpu.memory_space<hbm>>
    %dma_wait3A_158 = tpu.memref_squeeze %dma_wait3A_157 : memref<1x512xi32, #tpu.memory_space<hbm>> -> memref<512xi32, #tpu.memory_space<hbm>>
    %dma_wait3A_159 = arith.constant 2048 : i32
    %dma_wait3A_160 = tpu.memref_slice %arg6[%dma_wait3A_159] : memref<13312xi32, #tpu.memory_space<vmem>> -> memref<512xi32, #tpu.memory_space<vmem>>
    %dma_wait3A_161 = tpu.memref_slice %arg2[%dma_wait3A_154, %mul3A_2] : memref<26x16384xi32, #tpu.memory_space<hbm>> -> memref<1x512xi32, #tpu.memory_space<hbm>>
    %dma_wait3A_162 = tpu.memref_squeeze %dma_wait3A_161 : memref<1x512xi32, #tpu.memory_space<hbm>> -> memref<512xi32, #tpu.memory_space<hbm>>
    tpu.wait_dma2 semaphore(%arg12 : memref<!tpu.dma_semaphore, #tpu.memory_space<semaphore_mem>>) src(%dma_wait3A_162 : memref<512xi32, #tpu.memory_space<hbm>>) dst(%dma_wait3A_160 : memref<512xi32, #tpu.memory_space<vmem>>)
    %dma_wait3A_163 = arith.constant 5 : i32
    %dma_wait3A_164 = arith.constant 2560 : i32
    %dma_wait3A_165 = tpu.memref_slice %arg6[%dma_wait3A_164] : memref<13312xi32, #tpu.memory_space<vmem>> -> memref<512xi32, #tpu.memory_space<vmem>>
    %dma_wait3A_166 = tpu.memref_slice %arg2[%dma_wait3A_163, %mul3A_2] : memref<26x16384xi32, #tpu.memory_space<hbm>> -> memref<1x512xi32, #tpu.memory_space<hbm>>
    %dma_wait3A_167 = tpu.memref_squeeze %dma_wait3A_166 : memref<1x512xi32, #tpu.memory_space<hbm>> -> memref<512xi32, #tpu.memory_space<hbm>>
    %dma_wait3A_168 = arith.constant 2560 : i32
    %dma_wait3A_169 = tpu.memref_slice %arg6[%dma_wait3A_168] : memref<13312xi32, #tpu.memory_space<vmem>> -> memref<512xi32, #tpu.memory_space<vmem>>
    %dma_wait3A_170 = tpu.memref_slice %arg2[%dma_wait3A_163, %mul3A_2] : memref<26x16384xi32, #tpu.memory_space<hbm>> -> memref<1x512xi32, #tpu.memory_space<hbm>>
    %dma_wait3A_171 = tpu.memref_squeeze %dma_wait3A_170 : memref<1x512xi32, #tpu.memory_space<hbm>> -> memref<512xi32, #tpu.memory_space<hbm>>
    tpu.wait_dma2 semaphore(%arg12 : memref<!tpu.dma_semaphore, #tpu.memory_space<semaphore_mem>>) src(%dma_wait3A_171 : memref<512xi32, #tpu.memory_space<hbm>>) dst(%dma_wait3A_169 : memref<512xi32, #tpu.memory_space<vmem>>)
    %dma_wait3A_172 = arith.constant 6 : i32
    %dma_wait3A_173 = arith.constant 3072 : i32
    %dma_wait3A_174 = tpu.memref_slice %arg6[%dma_wait3A_173] : memref<13312xi32, #tpu.memory_space<vmem>> -> memref<512xi32, #tpu.memory_space<vmem>>
    %dma_wait3A_175 = tpu.memref_slice %arg2[%dma_wait3A_172, %mul3A_2] : memref<26x16384xi32, #tpu.memory_space<hbm>> -> memref<1x512xi32, #tpu.memory_space<hbm>>
    %dma_wait3A_176 = tpu.memref_squeeze %dma_wait3A_175 : memref<1x512xi32, #tpu.memory_space<hbm>> -> memref<512xi32, #tpu.memory_space<hbm>>
    %dma_wait3A_177 = arith.constant 3072 : i32
    %dma_wait3A_178 = tpu.memref_slice %arg6[%dma_wait3A_177] : memref<13312xi32, #tpu.memory_space<vmem>> -> memref<512xi32, #tpu.memory_space<vmem>>
    %dma_wait3A_179 = tpu.memref_slice %arg2[%dma_wait3A_172, %mul3A_2] : memref<26x16384xi32, #tpu.memory_space<hbm>> -> memref<1x512xi32, #tpu.memory_space<hbm>>
    %dma_wait3A_180 = tpu.memref_squeeze %dma_wait3A_179 : memref<1x512xi32, #tpu.memory_space<hbm>> -> memref<512xi32, #tpu.memory_space<hbm>>
    tpu.wait_dma2 semaphore(%arg12 : memref<!tpu.dma_semaphore, #tpu.memory_space<semaphore_mem>>) src(%dma_wait3A_180 : memref<512xi32, #tpu.memory_space<hbm>>) dst(%dma_wait3A_178 : memref<512xi32, #tpu.memory_space<vmem>>)
    %dma_wait3A_181 = arith.constant 7 : i32
    %dma_wait3A_182 = arith.constant 3584 : i32
    %dma_wait3A_183 = tpu.memref_slice %arg6[%dma_wait3A_182] : memref<13312xi32, #tpu.memory_space<vmem>> -> memref<512xi32, #tpu.memory_space<vmem>>
    %dma_wait3A_184 = tpu.memref_slice %arg2[%dma_wait3A_181, %mul3A_2] : memref<26x16384xi32, #tpu.memory_space<hbm>> -> memref<1x512xi32, #tpu.memory_space<hbm>>
    %dma_wait3A_185 = tpu.memref_squeeze %dma_wait3A_184 : memref<1x512xi32, #tpu.memory_space<hbm>> -> memref<512xi32, #tpu.memory_space<hbm>>
    %dma_wait3A_186 = arith.constant 3584 : i32
    %dma_wait3A_187 = tpu.memref_slice %arg6[%dma_wait3A_186] : memref<13312xi32, #tpu.memory_space<vmem>> -> memref<512xi32, #tpu.memory_space<vmem>>
    %dma_wait3A_188 = tpu.memref_slice %arg2[%dma_wait3A_181, %mul3A_2] : memref<26x16384xi32, #tpu.memory_space<hbm>> -> memref<1x512xi32, #tpu.memory_space<hbm>>
    %dma_wait3A_189 = tpu.memref_squeeze %dma_wait3A_188 : memref<1x512xi32, #tpu.memory_space<hbm>> -> memref<512xi32, #tpu.memory_space<hbm>>
    tpu.wait_dma2 semaphore(%arg12 : memref<!tpu.dma_semaphore, #tpu.memory_space<semaphore_mem>>) src(%dma_wait3A_189 : memref<512xi32, #tpu.memory_space<hbm>>) dst(%dma_wait3A_187 : memref<512xi32, #tpu.memory_space<vmem>>)
    %dma_wait3A_190 = arith.constant 8 : i32
    %dma_wait3A_191 = arith.constant 4096 : i32
    %dma_wait3A_192 = tpu.memref_slice %arg6[%dma_wait3A_191] : memref<13312xi32, #tpu.memory_space<vmem>> -> memref<512xi32, #tpu.memory_space<vmem>>
    %dma_wait3A_193 = tpu.memref_slice %arg2[%dma_wait3A_190, %mul3A_2] : memref<26x16384xi32, #tpu.memory_space<hbm>> -> memref<1x512xi32, #tpu.memory_space<hbm>>
    %dma_wait3A_194 = tpu.memref_squeeze %dma_wait3A_193 : memref<1x512xi32, #tpu.memory_space<hbm>> -> memref<512xi32, #tpu.memory_space<hbm>>
    %dma_wait3A_195 = arith.constant 4096 : i32
    %dma_wait3A_196 = tpu.memref_slice %arg6[%dma_wait3A_195] : memref<13312xi32, #tpu.memory_space<vmem>> -> memref<512xi32, #tpu.memory_space<vmem>>
    %dma_wait3A_197 = tpu.memref_slice %arg2[%dma_wait3A_190, %mul3A_2] : memref<26x16384xi32, #tpu.memory_space<hbm>> -> memref<1x512xi32, #tpu.memory_space<hbm>>
    %dma_wait3A_198 = tpu.memref_squeeze %dma_wait3A_197 : memref<1x512xi32, #tpu.memory_space<hbm>> -> memref<512xi32, #tpu.memory_space<hbm>>
    tpu.wait_dma2 semaphore(%arg12 : memref<!tpu.dma_semaphore, #tpu.memory_space<semaphore_mem>>) src(%dma_wait3A_198 : memref<512xi32, #tpu.memory_space<hbm>>) dst(%dma_wait3A_196 : memref<512xi32, #tpu.memory_space<vmem>>)
    %dma_wait3A_199 = arith.constant 9 : i32
    %dma_wait3A_200 = arith.constant 4608 : i32
    %dma_wait3A_201 = tpu.memref_slice %arg6[%dma_wait3A_200] : memref<13312xi32, #tpu.memory_space<vmem>> -> memref<512xi32, #tpu.memory_space<vmem>>
    %dma_wait3A_202 = tpu.memref_slice %arg2[%dma_wait3A_199, %mul3A_2] : memref<26x16384xi32, #tpu.memory_space<hbm>> -> memref<1x512xi32, #tpu.memory_space<hbm>>
    %dma_wait3A_203 = tpu.memref_squeeze %dma_wait3A_202 : memref<1x512xi32, #tpu.memory_space<hbm>> -> memref<512xi32, #tpu.memory_space<hbm>>
    %dma_wait3A_204 = arith.constant 4608 : i32
    %dma_wait3A_205 = tpu.memref_slice %arg6[%dma_wait3A_204] : memref<13312xi32, #tpu.memory_space<vmem>> -> memref<512xi32, #tpu.memory_space<vmem>>
    %dma_wait3A_206 = tpu.memref_slice %arg2[%dma_wait3A_199, %mul3A_2] : memref<26x16384xi32, #tpu.memory_space<hbm>> -> memref<1x512xi32, #tpu.memory_space<hbm>>
    %dma_wait3A_207 = tpu.memref_squeeze %dma_wait3A_206 : memref<1x512xi32, #tpu.memory_space<hbm>> -> memref<512xi32, #tpu.memory_space<hbm>>
    tpu.wait_dma2 semaphore(%arg12 : memref<!tpu.dma_semaphore, #tpu.memory_space<semaphore_mem>>) src(%dma_wait3A_207 : memref<512xi32, #tpu.memory_space<hbm>>) dst(%dma_wait3A_205 : memref<512xi32, #tpu.memory_space<vmem>>)
    %dma_wait3A_208 = arith.constant 10 : i32
    %dma_wait3A_209 = arith.constant 5120 : i32
    %dma_wait3A_210 = tpu.memref_slice %arg6[%dma_wait3A_209] : memref<13312xi32, #tpu.memory_space<vmem>> -> memref<512xi32, #tpu.memory_space<vmem>>
    %dma_wait3A_211 = tpu.memref_slice %arg2[%dma_wait3A_208, %mul3A_2] : memref<26x16384xi32, #tpu.memory_space<hbm>> -> memref<1x512xi32, #tpu.memory_space<hbm>>
    %dma_wait3A_212 = tpu.memref_squeeze %dma_wait3A_211 : memref<1x512xi32, #tpu.memory_space<hbm>> -> memref<512xi32, #tpu.memory_space<hbm>>
    %dma_wait3A_213 = arith.constant 5120 : i32
    %dma_wait3A_214 = tpu.memref_slice %arg6[%dma_wait3A_213] : memref<13312xi32, #tpu.memory_space<vmem>> -> memref<512xi32, #tpu.memory_space<vmem>>
    %dma_wait3A_215 = tpu.memref_slice %arg2[%dma_wait3A_208, %mul3A_2] : memref<26x16384xi32, #tpu.memory_space<hbm>> -> memref<1x512xi32, #tpu.memory_space<hbm>>
    %dma_wait3A_216 = tpu.memref_squeeze %dma_wait3A_215 : memref<1x512xi32, #tpu.memory_space<hbm>> -> memref<512xi32, #tpu.memory_space<hbm>>
    tpu.wait_dma2 semaphore(%arg12 : memref<!tpu.dma_semaphore, #tpu.memory_space<semaphore_mem>>) src(%dma_wait3A_216 : memref<512xi32, #tpu.memory_space<hbm>>) dst(%dma_wait3A_214 : memref<512xi32, #tpu.memory_space<vmem>>)
    %dma_wait3A_217 = arith.constant 11 : i32
    %dma_wait3A_218 = arith.constant 5632 : i32
    %dma_wait3A_219 = tpu.memref_slice %arg6[%dma_wait3A_218] : memref<13312xi32, #tpu.memory_space<vmem>> -> memref<512xi32, #tpu.memory_space<vmem>>
    %dma_wait3A_220 = tpu.memref_slice %arg2[%dma_wait3A_217, %mul3A_2] : memref<26x16384xi32, #tpu.memory_space<hbm>> -> memref<1x512xi32, #tpu.memory_space<hbm>>
    %dma_wait3A_221 = tpu.memref_squeeze %dma_wait3A_220 : memref<1x512xi32, #tpu.memory_space<hbm>> -> memref<512xi32, #tpu.memory_space<hbm>>
    %dma_wait3A_222 = arith.constant 5632 : i32
    %dma_wait3A_223 = tpu.memref_slice %arg6[%dma_wait3A_222] : memref<13312xi32, #tpu.memory_space<vmem>> -> memref<512xi32, #tpu.memory_space<vmem>>
    %dma_wait3A_224 = tpu.memref_slice %arg2[%dma_wait3A_217, %mul3A_2] : memref<26x16384xi32, #tpu.memory_space<hbm>> -> memref<1x512xi32, #tpu.memory_space<hbm>>
    %dma_wait3A_225 = tpu.memref_squeeze %dma_wait3A_224 : memref<1x512xi32, #tpu.memory_space<hbm>> -> memref<512xi32, #tpu.memory_space<hbm>>
    tpu.wait_dma2 semaphore(%arg12 : memref<!tpu.dma_semaphore, #tpu.memory_space<semaphore_mem>>) src(%dma_wait3A_225 : memref<512xi32, #tpu.memory_space<hbm>>) dst(%dma_wait3A_223 : memref<512xi32, #tpu.memory_space<vmem>>)
    %dma_wait3A_226 = arith.constant 12 : i32
    %dma_wait3A_227 = arith.constant 6144 : i32
    %dma_wait3A_228 = tpu.memref_slice %arg6[%dma_wait3A_227] : memref<13312xi32, #tpu.memory_space<vmem>> -> memref<512xi32, #tpu.memory_space<vmem>>
    %dma_wait3A_229 = tpu.memref_slice %arg2[%dma_wait3A_226, %mul3A_2] : memref<26x16384xi32, #tpu.memory_space<hbm>> -> memref<1x512xi32, #tpu.memory_space<hbm>>
    %dma_wait3A_230 = tpu.memref_squeeze %dma_wait3A_229 : memref<1x512xi32, #tpu.memory_space<hbm>> -> memref<512xi32, #tpu.memory_space<hbm>>
    %dma_wait3A_231 = arith.constant 6144 : i32
    %dma_wait3A_232 = tpu.memref_slice %arg6[%dma_wait3A_231] : memref<13312xi32, #tpu.memory_space<vmem>> -> memref<512xi32, #tpu.memory_space<vmem>>
    %dma_wait3A_233 = tpu.memref_slice %arg2[%dma_wait3A_226, %mul3A_2] : memref<26x16384xi32, #tpu.memory_space<hbm>> -> memref<1x512xi32, #tpu.memory_space<hbm>>
    %dma_wait3A_234 = tpu.memref_squeeze %dma_wait3A_233 : memref<1x512xi32, #tpu.memory_space<hbm>> -> memref<512xi32, #tpu.memory_space<hbm>>
    tpu.wait_dma2 semaphore(%arg12 : memref<!tpu.dma_semaphore, #tpu.memory_space<semaphore_mem>>) src(%dma_wait3A_234 : memref<512xi32, #tpu.memory_space<hbm>>) dst(%dma_wait3A_232 : memref<512xi32, #tpu.memory_space<vmem>>)
    %dma_start3A_235 = arith.constant 0 : i32
    %dma_start3A_236 = tpu.memref_slice %arg7[%dma_start3A_235] : memref<13312xf32, #tpu.memory_space<vmem>> -> memref<6656xf32, #tpu.memory_space<vmem>>
    %dma_start3A_237 = arith.constant 0 : i32
    %dma_start3A_238 = tpu.memref_slice %arg6[%dma_start3A_237] : memref<13312xi32, #tpu.memory_space<vmem>> -> memref<6656xi32, #tpu.memory_space<vmem>>
    %dma_start3A_239 = arith.constant 0 : i32
    %dma_start3A_240 = tpu.memref_slice %arg3[%dma_start3A_239] : memref<2600000xf32, #tpu.memory_space<hbm>> -> memref<2600000xf32, #tpu.memory_space<hbm>>
    tpu.enqueue_indirect_dma source(%dma_start3A_240 : memref<2600000xf32, #tpu.memory_space<hbm>>) target(%dma_start3A_236 : memref<6656xf32, #tpu.memory_space<vmem>>) offsets(%dma_start3A_238 : memref<6656xi32, #tpu.memory_space<vmem>>) semaphore(%arg10 : memref<!tpu.dma_semaphore, #tpu.memory_space<semaphore_mem>>)
    %dma_start3A_241 = arith.constant 13 : i32
    %dma_start3A_242 = arith.constant 6656 : i32
    %dma_start3A_243 = tpu.memref_slice %arg6[%dma_start3A_242] : memref<13312xi32, #tpu.memory_space<vmem>> -> memref<512xi32, #tpu.memory_space<vmem>>
    %dma_start3A_244 = tpu.memref_slice %arg2[%dma_start3A_241, %mul3A_2] : memref<26x16384xi32, #tpu.memory_space<hbm>> -> memref<1x512xi32, #tpu.memory_space<hbm>>
    %dma_start3A_245 = tpu.memref_squeeze %dma_start3A_244 : memref<1x512xi32, #tpu.memory_space<hbm>> -> memref<512xi32, #tpu.memory_space<hbm>>
    %dma_start3A_246 = arith.constant 6656 : i32
    %dma_start3A_247 = tpu.memref_slice %arg6[%dma_start3A_246] : memref<13312xi32, #tpu.memory_space<vmem>> -> memref<512xi32, #tpu.memory_space<vmem>>
    %dma_start3A_248 = tpu.memref_slice %arg2[%dma_start3A_241, %mul3A_2] : memref<26x16384xi32, #tpu.memory_space<hbm>> -> memref<1x512xi32, #tpu.memory_space<hbm>>
    %dma_start3A_249 = tpu.memref_squeeze %dma_start3A_248 : memref<1x512xi32, #tpu.memory_space<hbm>> -> memref<512xi32, #tpu.memory_space<hbm>>
    tpu.enqueue_dma source(%dma_start3A_249 : memref<512xi32, #tpu.memory_space<hbm>>) target(%dma_start3A_247 : memref<512xi32, #tpu.memory_space<vmem>>) target_semaphore(%arg12 : memref<!tpu.dma_semaphore, #tpu.memory_space<semaphore_mem>>)
    %dma_start3A_250 = arith.constant 14 : i32
    %dma_start3A_251 = arith.constant 7168 : i32
    %dma_start3A_252 = tpu.memref_slice %arg6[%dma_start3A_251] : memref<13312xi32, #tpu.memory_space<vmem>> -> memref<512xi32, #tpu.memory_space<vmem>>
    %dma_start3A_253 = tpu.memref_slice %arg2[%dma_start3A_250, %mul3A_2] : memref<26x16384xi32, #tpu.memory_space<hbm>> -> memref<1x512xi32, #tpu.memory_space<hbm>>
    %dma_start3A_254 = tpu.memref_squeeze %dma_start3A_253 : memref<1x512xi32, #tpu.memory_space<hbm>> -> memref<512xi32, #tpu.memory_space<hbm>>
    %dma_start3A_255 = arith.constant 7168 : i32
    %dma_start3A_256 = tpu.memref_slice %arg6[%dma_start3A_255] : memref<13312xi32, #tpu.memory_space<vmem>> -> memref<512xi32, #tpu.memory_space<vmem>>
    %dma_start3A_257 = tpu.memref_slice %arg2[%dma_start3A_250, %mul3A_2] : memref<26x16384xi32, #tpu.memory_space<hbm>> -> memref<1x512xi32, #tpu.memory_space<hbm>>
    %dma_start3A_258 = tpu.memref_squeeze %dma_start3A_257 : memref<1x512xi32, #tpu.memory_space<hbm>> -> memref<512xi32, #tpu.memory_space<hbm>>
    tpu.enqueue_dma source(%dma_start3A_258 : memref<512xi32, #tpu.memory_space<hbm>>) target(%dma_start3A_256 : memref<512xi32, #tpu.memory_space<vmem>>) target_semaphore(%arg12 : memref<!tpu.dma_semaphore, #tpu.memory_space<semaphore_mem>>)
    %dma_start3A_259 = arith.constant 15 : i32
    %dma_start3A_260 = arith.constant 7680 : i32
    %dma_start3A_261 = tpu.memref_slice %arg6[%dma_start3A_260] : memref<13312xi32, #tpu.memory_space<vmem>> -> memref<512xi32, #tpu.memory_space<vmem>>
    %dma_start3A_262 = tpu.memref_slice %arg2[%dma_start3A_259, %mul3A_2] : memref<26x16384xi32, #tpu.memory_space<hbm>> -> memref<1x512xi32, #tpu.memory_space<hbm>>
    %dma_start3A_263 = tpu.memref_squeeze %dma_start3A_262 : memref<1x512xi32, #tpu.memory_space<hbm>> -> memref<512xi32, #tpu.memory_space<hbm>>
    %dma_start3A_264 = arith.constant 7680 : i32
    %dma_start3A_265 = tpu.memref_slice %arg6[%dma_start3A_264] : memref<13312xi32, #tpu.memory_space<vmem>> -> memref<512xi32, #tpu.memory_space<vmem>>
    %dma_start3A_266 = tpu.memref_slice %arg2[%dma_start3A_259, %mul3A_2] : memref<26x16384xi32, #tpu.memory_space<hbm>> -> memref<1x512xi32, #tpu.memory_space<hbm>>
    %dma_start3A_267 = tpu.memref_squeeze %dma_start3A_266 : memref<1x512xi32, #tpu.memory_space<hbm>> -> memref<512xi32, #tpu.memory_space<hbm>>
    tpu.enqueue_dma source(%dma_start3A_267 : memref<512xi32, #tpu.memory_space<hbm>>) target(%dma_start3A_265 : memref<512xi32, #tpu.memory_space<vmem>>) target_semaphore(%arg12 : memref<!tpu.dma_semaphore, #tpu.memory_space<semaphore_mem>>)
    %dma_start3A_268 = arith.constant 16 : i32
    %dma_start3A_269 = arith.constant 8192 : i32
    %dma_start3A_270 = tpu.memref_slice %arg6[%dma_start3A_269] : memref<13312xi32, #tpu.memory_space<vmem>> -> memref<512xi32, #tpu.memory_space<vmem>>
    %dma_start3A_271 = tpu.memref_slice %arg2[%dma_start3A_268, %mul3A_2] : memref<26x16384xi32, #tpu.memory_space<hbm>> -> memref<1x512xi32, #tpu.memory_space<hbm>>
    %dma_start3A_272 = tpu.memref_squeeze %dma_start3A_271 : memref<1x512xi32, #tpu.memory_space<hbm>> -> memref<512xi32, #tpu.memory_space<hbm>>
    %dma_start3A_273 = arith.constant 8192 : i32
    %dma_start3A_274 = tpu.memref_slice %arg6[%dma_start3A_273] : memref<13312xi32, #tpu.memory_space<vmem>> -> memref<512xi32, #tpu.memory_space<vmem>>
    %dma_start3A_275 = tpu.memref_slice %arg2[%dma_start3A_268, %mul3A_2] : memref<26x16384xi32, #tpu.memory_space<hbm>> -> memref<1x512xi32, #tpu.memory_space<hbm>>
    %dma_start3A_276 = tpu.memref_squeeze %dma_start3A_275 : memref<1x512xi32, #tpu.memory_space<hbm>> -> memref<512xi32, #tpu.memory_space<hbm>>
    tpu.enqueue_dma source(%dma_start3A_276 : memref<512xi32, #tpu.memory_space<hbm>>) target(%dma_start3A_274 : memref<512xi32, #tpu.memory_space<vmem>>) target_semaphore(%arg12 : memref<!tpu.dma_semaphore, #tpu.memory_space<semaphore_mem>>)
    %dma_start3A_277 = arith.constant 17 : i32
    %dma_start3A_278 = arith.constant 8704 : i32
    %dma_start3A_279 = tpu.memref_slice %arg6[%dma_start3A_278] : memref<13312xi32, #tpu.memory_space<vmem>> -> memref<512xi32, #tpu.memory_space<vmem>>
    %dma_start3A_280 = tpu.memref_slice %arg2[%dma_start3A_277, %mul3A_2] : memref<26x16384xi32, #tpu.memory_space<hbm>> -> memref<1x512xi32, #tpu.memory_space<hbm>>
    %dma_start3A_281 = tpu.memref_squeeze %dma_start3A_280 : memref<1x512xi32, #tpu.memory_space<hbm>> -> memref<512xi32, #tpu.memory_space<hbm>>
    %dma_start3A_282 = arith.constant 8704 : i32
    %dma_start3A_283 = tpu.memref_slice %arg6[%dma_start3A_282] : memref<13312xi32, #tpu.memory_space<vmem>> -> memref<512xi32, #tpu.memory_space<vmem>>
    %dma_start3A_284 = tpu.memref_slice %arg2[%dma_start3A_277, %mul3A_2] : memref<26x16384xi32, #tpu.memory_space<hbm>> -> memref<1x512xi32, #tpu.memory_space<hbm>>
    %dma_start3A_285 = tpu.memref_squeeze %dma_start3A_284 : memref<1x512xi32, #tpu.memory_space<hbm>> -> memref<512xi32, #tpu.memory_space<hbm>>
    tpu.enqueue_dma source(%dma_start3A_285 : memref<512xi32, #tpu.memory_space<hbm>>) target(%dma_start3A_283 : memref<512xi32, #tpu.memory_space<vmem>>) target_semaphore(%arg12 : memref<!tpu.dma_semaphore, #tpu.memory_space<semaphore_mem>>)
    %dma_start3A_286 = arith.constant 18 : i32
    %dma_start3A_287 = arith.constant 9216 : i32
    %dma_start3A_288 = tpu.memref_slice %arg6[%dma_start3A_287] : memref<13312xi32, #tpu.memory_space<vmem>> -> memref<512xi32, #tpu.memory_space<vmem>>
    %dma_start3A_289 = tpu.memref_slice %arg2[%dma_start3A_286, %mul3A_2] : memref<26x16384xi32, #tpu.memory_space<hbm>> -> memref<1x512xi32, #tpu.memory_space<hbm>>
    %dma_start3A_290 = tpu.memref_squeeze %dma_start3A_289 : memref<1x512xi32, #tpu.memory_space<hbm>> -> memref<512xi32, #tpu.memory_space<hbm>>
    %dma_start3A_291 = arith.constant 9216 : i32
    %dma_start3A_292 = tpu.memref_slice %arg6[%dma_start3A_291] : memref<13312xi32, #tpu.memory_space<vmem>> -> memref<512xi32, #tpu.memory_space<vmem>>
    %dma_start3A_293 = tpu.memref_slice %arg2[%dma_start3A_286, %mul3A_2] : memref<26x16384xi32, #tpu.memory_space<hbm>> -> memref<1x512xi32, #tpu.memory_space<hbm>>
    %dma_start3A_294 = tpu.memref_squeeze %dma_start3A_293 : memref<1x512xi32, #tpu.memory_space<hbm>> -> memref<512xi32, #tpu.memory_space<hbm>>
    tpu.enqueue_dma source(%dma_start3A_294 : memref<512xi32, #tpu.memory_space<hbm>>) target(%dma_start3A_292 : memref<512xi32, #tpu.memory_space<vmem>>) target_semaphore(%arg12 : memref<!tpu.dma_semaphore, #tpu.memory_space<semaphore_mem>>)
    %dma_start3A_295 = arith.constant 19 : i32
    %dma_start3A_296 = arith.constant 9728 : i32
    %dma_start3A_297 = tpu.memref_slice %arg6[%dma_start3A_296] : memref<13312xi32, #tpu.memory_space<vmem>> -> memref<512xi32, #tpu.memory_space<vmem>>
    %dma_start3A_298 = tpu.memref_slice %arg2[%dma_start3A_295, %mul3A_2] : memref<26x16384xi32, #tpu.memory_space<hbm>> -> memref<1x512xi32, #tpu.memory_space<hbm>>
    %dma_start3A_299 = tpu.memref_squeeze %dma_start3A_298 : memref<1x512xi32, #tpu.memory_space<hbm>> -> memref<512xi32, #tpu.memory_space<hbm>>
    %dma_start3A_300 = arith.constant 9728 : i32
    %dma_start3A_301 = tpu.memref_slice %arg6[%dma_start3A_300] : memref<13312xi32, #tpu.memory_space<vmem>> -> memref<512xi32, #tpu.memory_space<vmem>>
    %dma_start3A_302 = tpu.memref_slice %arg2[%dma_start3A_295, %mul3A_2] : memref<26x16384xi32, #tpu.memory_space<hbm>> -> memref<1x512xi32, #tpu.memory_space<hbm>>
    %dma_start3A_303 = tpu.memref_squeeze %dma_start3A_302 : memref<1x512xi32, #tpu.memory_space<hbm>> -> memref<512xi32, #tpu.memory_space<hbm>>
    tpu.enqueue_dma source(%dma_start3A_303 : memref<512xi32, #tpu.memory_space<hbm>>) target(%dma_start3A_301 : memref<512xi32, #tpu.memory_space<vmem>>) target_semaphore(%arg12 : memref<!tpu.dma_semaphore, #tpu.memory_space<semaphore_mem>>)
    %dma_start3A_304 = arith.constant 20 : i32
    %dma_start3A_305 = arith.constant 10240 : i32
    %dma_start3A_306 = tpu.memref_slice %arg6[%dma_start3A_305] : memref<13312xi32, #tpu.memory_space<vmem>> -> memref<512xi32, #tpu.memory_space<vmem>>
    %dma_start3A_307 = tpu.memref_slice %arg2[%dma_start3A_304, %mul3A_2] : memref<26x16384xi32, #tpu.memory_space<hbm>> -> memref<1x512xi32, #tpu.memory_space<hbm>>
    %dma_start3A_308 = tpu.memref_squeeze %dma_start3A_307 : memref<1x512xi32, #tpu.memory_space<hbm>> -> memref<512xi32, #tpu.memory_space<hbm>>
    %dma_start3A_309 = arith.constant 10240 : i32
    %dma_start3A_310 = tpu.memref_slice %arg6[%dma_start3A_309] : memref<13312xi32, #tpu.memory_space<vmem>> -> memref<512xi32, #tpu.memory_space<vmem>>
    %dma_start3A_311 = tpu.memref_slice %arg2[%dma_start3A_304, %mul3A_2] : memref<26x16384xi32, #tpu.memory_space<hbm>> -> memref<1x512xi32, #tpu.memory_space<hbm>>
    %dma_start3A_312 = tpu.memref_squeeze %dma_start3A_311 : memref<1x512xi32, #tpu.memory_space<hbm>> -> memref<512xi32, #tpu.memory_space<hbm>>
    tpu.enqueue_dma source(%dma_start3A_312 : memref<512xi32, #tpu.memory_space<hbm>>) target(%dma_start3A_310 : memref<512xi32, #tpu.memory_space<vmem>>) target_semaphore(%arg12 : memref<!tpu.dma_semaphore, #tpu.memory_space<semaphore_mem>>)
    %dma_start3A_313 = arith.constant 21 : i32
    %dma_start3A_314 = arith.constant 10752 : i32
    %dma_start3A_315 = tpu.memref_slice %arg6[%dma_start3A_314] : memref<13312xi32, #tpu.memory_space<vmem>> -> memref<512xi32, #tpu.memory_space<vmem>>
    %dma_start3A_316 = tpu.memref_slice %arg2[%dma_start3A_313, %mul3A_2] : memref<26x16384xi32, #tpu.memory_space<hbm>> -> memref<1x512xi32, #tpu.memory_space<hbm>>
    %dma_start3A_317 = tpu.memref_squeeze %dma_start3A_316 : memref<1x512xi32, #tpu.memory_space<hbm>> -> memref<512xi32, #tpu.memory_space<hbm>>
    %dma_start3A_318 = arith.constant 10752 : i32
    %dma_start3A_319 = tpu.memref_slice %arg6[%dma_start3A_318] : memref<13312xi32, #tpu.memory_space<vmem>> -> memref<512xi32, #tpu.memory_space<vmem>>
    %dma_start3A_320 = tpu.memref_slice %arg2[%dma_start3A_313, %mul3A_2] : memref<26x16384xi32, #tpu.memory_space<hbm>> -> memref<1x512xi32, #tpu.memory_space<hbm>>
    %dma_start3A_321 = tpu.memref_squeeze %dma_start3A_320 : memref<1x512xi32, #tpu.memory_space<hbm>> -> memref<512xi32, #tpu.memory_space<hbm>>
    tpu.enqueue_dma source(%dma_start3A_321 : memref<512xi32, #tpu.memory_space<hbm>>) target(%dma_start3A_319 : memref<512xi32, #tpu.memory_space<vmem>>) target_semaphore(%arg12 : memref<!tpu.dma_semaphore, #tpu.memory_space<semaphore_mem>>)
    %dma_start3A_322 = arith.constant 22 : i32
    %dma_start3A_323 = arith.constant 11264 : i32
    %dma_start3A_324 = tpu.memref_slice %arg6[%dma_start3A_323] : memref<13312xi32, #tpu.memory_space<vmem>> -> memref<512xi32, #tpu.memory_space<vmem>>
    %dma_start3A_325 = tpu.memref_slice %arg2[%dma_start3A_322, %mul3A_2] : memref<26x16384xi32, #tpu.memory_space<hbm>> -> memref<1x512xi32, #tpu.memory_space<hbm>>
    %dma_start3A_326 = tpu.memref_squeeze %dma_start3A_325 : memref<1x512xi32, #tpu.memory_space<hbm>> -> memref<512xi32, #tpu.memory_space<hbm>>
    %dma_start3A_327 = arith.constant 11264 : i32
    %dma_start3A_328 = tpu.memref_slice %arg6[%dma_start3A_327] : memref<13312xi32, #tpu.memory_space<vmem>> -> memref<512xi32, #tpu.memory_space<vmem>>
    %dma_start3A_329 = tpu.memref_slice %arg2[%dma_start3A_322, %mul3A_2] : memref<26x16384xi32, #tpu.memory_space<hbm>> -> memref<1x512xi32, #tpu.memory_space<hbm>>
    %dma_start3A_330 = tpu.memref_squeeze %dma_start3A_329 : memref<1x512xi32, #tpu.memory_space<hbm>> -> memref<512xi32, #tpu.memory_space<hbm>>
    tpu.enqueue_dma source(%dma_start3A_330 : memref<512xi32, #tpu.memory_space<hbm>>) target(%dma_start3A_328 : memref<512xi32, #tpu.memory_space<vmem>>) target_semaphore(%arg12 : memref<!tpu.dma_semaphore, #tpu.memory_space<semaphore_mem>>)
    %dma_start3A_331 = arith.constant 23 : i32
    %dma_start3A_332 = arith.constant 11776 : i32
    %dma_start3A_333 = tpu.memref_slice %arg6[%dma_start3A_332] : memref<13312xi32, #tpu.memory_space<vmem>> -> memref<512xi32, #tpu.memory_space<vmem>>
    %dma_start3A_334 = tpu.memref_slice %arg2[%dma_start3A_331, %mul3A_2] : memref<26x16384xi32, #tpu.memory_space<hbm>> -> memref<1x512xi32, #tpu.memory_space<hbm>>
    %dma_start3A_335 = tpu.memref_squeeze %dma_start3A_334 : memref<1x512xi32, #tpu.memory_space<hbm>> -> memref<512xi32, #tpu.memory_space<hbm>>
    %dma_start3A_336 = arith.constant 11776 : i32
    %dma_start3A_337 = tpu.memref_slice %arg6[%dma_start3A_336] : memref<13312xi32, #tpu.memory_space<vmem>> -> memref<512xi32, #tpu.memory_space<vmem>>
    %dma_start3A_338 = tpu.memref_slice %arg2[%dma_start3A_331, %mul3A_2] : memref<26x16384xi32, #tpu.memory_space<hbm>> -> memref<1x512xi32, #tpu.memory_space<hbm>>
    %dma_start3A_339 = tpu.memref_squeeze %dma_start3A_338 : memref<1x512xi32, #tpu.memory_space<hbm>> -> memref<512xi32, #tpu.memory_space<hbm>>
    tpu.enqueue_dma source(%dma_start3A_339 : memref<512xi32, #tpu.memory_space<hbm>>) target(%dma_start3A_337 : memref<512xi32, #tpu.memory_space<vmem>>) target_semaphore(%arg12 : memref<!tpu.dma_semaphore, #tpu.memory_space<semaphore_mem>>)
    %dma_start3A_340 = arith.constant 24 : i32
    %dma_start3A_341 = arith.constant 12288 : i32
    %dma_start3A_342 = tpu.memref_slice %arg6[%dma_start3A_341] : memref<13312xi32, #tpu.memory_space<vmem>> -> memref<512xi32, #tpu.memory_space<vmem>>
    %dma_start3A_343 = tpu.memref_slice %arg2[%dma_start3A_340, %mul3A_2] : memref<26x16384xi32, #tpu.memory_space<hbm>> -> memref<1x512xi32, #tpu.memory_space<hbm>>
    %dma_start3A_344 = tpu.memref_squeeze %dma_start3A_343 : memref<1x512xi32, #tpu.memory_space<hbm>> -> memref<512xi32, #tpu.memory_space<hbm>>
    %dma_start3A_345 = arith.constant 12288 : i32
    %dma_start3A_346 = tpu.memref_slice %arg6[%dma_start3A_345] : memref<13312xi32, #tpu.memory_space<vmem>> -> memref<512xi32, #tpu.memory_space<vmem>>
    %dma_start3A_347 = tpu.memref_slice %arg2[%dma_start3A_340, %mul3A_2] : memref<26x16384xi32, #tpu.memory_space<hbm>> -> memref<1x512xi32, #tpu.memory_space<hbm>>
    %dma_start3A_348 = tpu.memref_squeeze %dma_start3A_347 : memref<1x512xi32, #tpu.memory_space<hbm>> -> memref<512xi32, #tpu.memory_space<hbm>>
    tpu.enqueue_dma source(%dma_start3A_348 : memref<512xi32, #tpu.memory_space<hbm>>) target(%dma_start3A_346 : memref<512xi32, #tpu.memory_space<vmem>>) target_semaphore(%arg12 : memref<!tpu.dma_semaphore, #tpu.memory_space<semaphore_mem>>)
    %dma_start3A_349 = arith.constant 25 : i32
    %dma_start3A_350 = arith.constant 12800 : i32
    %dma_start3A_351 = tpu.memref_slice %arg6[%dma_start3A_350] : memref<13312xi32, #tpu.memory_space<vmem>> -> memref<512xi32, #tpu.memory_space<vmem>>
    %dma_start3A_352 = tpu.memref_slice %arg2[%dma_start3A_349, %mul3A_2] : memref<26x16384xi32, #tpu.memory_space<hbm>> -> memref<1x512xi32, #tpu.memory_space<hbm>>
    %dma_start3A_353 = tpu.memref_squeeze %dma_start3A_352 : memref<1x512xi32, #tpu.memory_space<hbm>> -> memref<512xi32, #tpu.memory_space<hbm>>
    %dma_start3A_354 = arith.constant 12800 : i32
    %dma_start3A_355 = tpu.memref_slice %arg6[%dma_start3A_354] : memref<13312xi32, #tpu.memory_space<vmem>> -> memref<512xi32, #tpu.memory_space<vmem>>
    %dma_start3A_356 = tpu.memref_slice %arg2[%dma_start3A_349, %mul3A_2] : memref<26x16384xi32, #tpu.memory_space<hbm>> -> memref<1x512xi32, #tpu.memory_space<hbm>>
    %dma_start3A_357 = tpu.memref_squeeze %dma_start3A_356 : memref<1x512xi32, #tpu.memory_space<hbm>> -> memref<512xi32, #tpu.memory_space<hbm>>
    tpu.enqueue_dma source(%dma_start3A_357 : memref<512xi32, #tpu.memory_space<hbm>>) target(%dma_start3A_355 : memref<512xi32, #tpu.memory_space<vmem>>) target_semaphore(%arg12 : memref<!tpu.dma_semaphore, #tpu.memory_space<semaphore_mem>>)
    %dma_wait3A_358 = arith.constant 13 : i32
    %dma_wait3A_359 = arith.constant 6656 : i32
    %dma_wait3A_360 = tpu.memref_slice %arg6[%dma_wait3A_359] : memref<13312xi32, #tpu.memory_space<vmem>> -> memref<512xi32, #tpu.memory_space<vmem>>
    %dma_wait3A_361 = tpu.memref_slice %arg2[%dma_wait3A_358, %mul3A_2] : memref<26x16384xi32, #tpu.memory_space<hbm>> -> memref<1x512xi32, #tpu.memory_space<hbm>>
    %dma_wait3A_362 = tpu.memref_squeeze %dma_wait3A_361 : memref<1x512xi32, #tpu.memory_space<hbm>> -> memref<512xi32, #tpu.memory_space<hbm>>
    %dma_wait3A_363 = arith.constant 6656 : i32
    %dma_wait3A_364 = tpu.memref_slice %arg6[%dma_wait3A_363] : memref<13312xi32, #tpu.memory_space<vmem>> -> memref<512xi32, #tpu.memory_space<vmem>>
    %dma_wait3A_365 = tpu.memref_slice %arg2[%dma_wait3A_358, %mul3A_2] : memref<26x16384xi32, #tpu.memory_space<hbm>> -> memref<1x512xi32, #tpu.memory_space<hbm>>
    %dma_wait3A_366 = tpu.memref_squeeze %dma_wait3A_365 : memref<1x512xi32, #tpu.memory_space<hbm>> -> memref<512xi32, #tpu.memory_space<hbm>>
    tpu.wait_dma2 semaphore(%arg12 : memref<!tpu.dma_semaphore, #tpu.memory_space<semaphore_mem>>) src(%dma_wait3A_366 : memref<512xi32, #tpu.memory_space<hbm>>) dst(%dma_wait3A_364 : memref<512xi32, #tpu.memory_space<vmem>>)
    %dma_wait3A_367 = arith.constant 14 : i32
    %dma_wait3A_368 = arith.constant 7168 : i32
    %dma_wait3A_369 = tpu.memref_slice %arg6[%dma_wait3A_368] : memref<13312xi32, #tpu.memory_space<vmem>> -> memref<512xi32, #tpu.memory_space<vmem>>
    %dma_wait3A_370 = tpu.memref_slice %arg2[%dma_wait3A_367, %mul3A_2] : memref<26x16384xi32, #tpu.memory_space<hbm>> -> memref<1x512xi32, #tpu.memory_space<hbm>>
    %dma_wait3A_371 = tpu.memref_squeeze %dma_wait3A_370 : memref<1x512xi32, #tpu.memory_space<hbm>> -> memref<512xi32, #tpu.memory_space<hbm>>
    %dma_wait3A_372 = arith.constant 7168 : i32
    %dma_wait3A_373 = tpu.memref_slice %arg6[%dma_wait3A_372] : memref<13312xi32, #tpu.memory_space<vmem>> -> memref<512xi32, #tpu.memory_space<vmem>>
    %dma_wait3A_374 = tpu.memref_slice %arg2[%dma_wait3A_367, %mul3A_2] : memref<26x16384xi32, #tpu.memory_space<hbm>> -> memref<1x512xi32, #tpu.memory_space<hbm>>
    %dma_wait3A_375 = tpu.memref_squeeze %dma_wait3A_374 : memref<1x512xi32, #tpu.memory_space<hbm>> -> memref<512xi32, #tpu.memory_space<hbm>>
    tpu.wait_dma2 semaphore(%arg12 : memref<!tpu.dma_semaphore, #tpu.memory_space<semaphore_mem>>) src(%dma_wait3A_375 : memref<512xi32, #tpu.memory_space<hbm>>) dst(%dma_wait3A_373 : memref<512xi32, #tpu.memory_space<vmem>>)
    %dma_wait3A_376 = arith.constant 15 : i32
    %dma_wait3A_377 = arith.constant 7680 : i32
    %dma_wait3A_378 = tpu.memref_slice %arg6[%dma_wait3A_377] : memref<13312xi32, #tpu.memory_space<vmem>> -> memref<512xi32, #tpu.memory_space<vmem>>
    %dma_wait3A_379 = tpu.memref_slice %arg2[%dma_wait3A_376, %mul3A_2] : memref<26x16384xi32, #tpu.memory_space<hbm>> -> memref<1x512xi32, #tpu.memory_space<hbm>>
    %dma_wait3A_380 = tpu.memref_squeeze %dma_wait3A_379 : memref<1x512xi32, #tpu.memory_space<hbm>> -> memref<512xi32, #tpu.memory_space<hbm>>
    %dma_wait3A_381 = arith.constant 7680 : i32
    %dma_wait3A_382 = tpu.memref_slice %arg6[%dma_wait3A_381] : memref<13312xi32, #tpu.memory_space<vmem>> -> memref<512xi32, #tpu.memory_space<vmem>>
    %dma_wait3A_383 = tpu.memref_slice %arg2[%dma_wait3A_376, %mul3A_2] : memref<26x16384xi32, #tpu.memory_space<hbm>> -> memref<1x512xi32, #tpu.memory_space<hbm>>
    %dma_wait3A_384 = tpu.memref_squeeze %dma_wait3A_383 : memref<1x512xi32, #tpu.memory_space<hbm>> -> memref<512xi32, #tpu.memory_space<hbm>>
    tpu.wait_dma2 semaphore(%arg12 : memref<!tpu.dma_semaphore, #tpu.memory_space<semaphore_mem>>) src(%dma_wait3A_384 : memref<512xi32, #tpu.memory_space<hbm>>) dst(%dma_wait3A_382 : memref<512xi32, #tpu.memory_space<vmem>>)
    %dma_wait3A_385 = arith.constant 16 : i32
    %dma_wait3A_386 = arith.constant 8192 : i32
    %dma_wait3A_387 = tpu.memref_slice %arg6[%dma_wait3A_386] : memref<13312xi32, #tpu.memory_space<vmem>> -> memref<512xi32, #tpu.memory_space<vmem>>
    %dma_wait3A_388 = tpu.memref_slice %arg2[%dma_wait3A_385, %mul3A_2] : memref<26x16384xi32, #tpu.memory_space<hbm>> -> memref<1x512xi32, #tpu.memory_space<hbm>>
    %dma_wait3A_389 = tpu.memref_squeeze %dma_wait3A_388 : memref<1x512xi32, #tpu.memory_space<hbm>> -> memref<512xi32, #tpu.memory_space<hbm>>
    %dma_wait3A_390 = arith.constant 8192 : i32
    %dma_wait3A_391 = tpu.memref_slice %arg6[%dma_wait3A_390] : memref<13312xi32, #tpu.memory_space<vmem>> -> memref<512xi32, #tpu.memory_space<vmem>>
    %dma_wait3A_392 = tpu.memref_slice %arg2[%dma_wait3A_385, %mul3A_2] : memref<26x16384xi32, #tpu.memory_space<hbm>> -> memref<1x512xi32, #tpu.memory_space<hbm>>
    %dma_wait3A_393 = tpu.memref_squeeze %dma_wait3A_392 : memref<1x512xi32, #tpu.memory_space<hbm>> -> memref<512xi32, #tpu.memory_space<hbm>>
    tpu.wait_dma2 semaphore(%arg12 : memref<!tpu.dma_semaphore, #tpu.memory_space<semaphore_mem>>) src(%dma_wait3A_393 : memref<512xi32, #tpu.memory_space<hbm>>) dst(%dma_wait3A_391 : memref<512xi32, #tpu.memory_space<vmem>>)
    %dma_wait3A_394 = arith.constant 17 : i32
    %dma_wait3A_395 = arith.constant 8704 : i32
    %dma_wait3A_396 = tpu.memref_slice %arg6[%dma_wait3A_395] : memref<13312xi32, #tpu.memory_space<vmem>> -> memref<512xi32, #tpu.memory_space<vmem>>
    %dma_wait3A_397 = tpu.memref_slice %arg2[%dma_wait3A_394, %mul3A_2] : memref<26x16384xi32, #tpu.memory_space<hbm>> -> memref<1x512xi32, #tpu.memory_space<hbm>>
    %dma_wait3A_398 = tpu.memref_squeeze %dma_wait3A_397 : memref<1x512xi32, #tpu.memory_space<hbm>> -> memref<512xi32, #tpu.memory_space<hbm>>
    %dma_wait3A_399 = arith.constant 8704 : i32
    %dma_wait3A_400 = tpu.memref_slice %arg6[%dma_wait3A_399] : memref<13312xi32, #tpu.memory_space<vmem>> -> memref<512xi32, #tpu.memory_space<vmem>>
    %dma_wait3A_401 = tpu.memref_slice %arg2[%dma_wait3A_394, %mul3A_2] : memref<26x16384xi32, #tpu.memory_space<hbm>> -> memref<1x512xi32, #tpu.memory_space<hbm>>
    %dma_wait3A_402 = tpu.memref_squeeze %dma_wait3A_401 : memref<1x512xi32, #tpu.memory_space<hbm>> -> memref<512xi32, #tpu.memory_space<hbm>>
    tpu.wait_dma2 semaphore(%arg12 : memref<!tpu.dma_semaphore, #tpu.memory_space<semaphore_mem>>) src(%dma_wait3A_402 : memref<512xi32, #tpu.memory_space<hbm>>) dst(%dma_wait3A_400 : memref<512xi32, #tpu.memory_space<vmem>>)
    %dma_wait3A_403 = arith.constant 18 : i32
    %dma_wait3A_404 = arith.constant 9216 : i32
    %dma_wait3A_405 = tpu.memref_slice %arg6[%dma_wait3A_404] : memref<13312xi32, #tpu.memory_space<vmem>> -> memref<512xi32, #tpu.memory_space<vmem>>
    %dma_wait3A_406 = tpu.memref_slice %arg2[%dma_wait3A_403, %mul3A_2] : memref<26x16384xi32, #tpu.memory_space<hbm>> -> memref<1x512xi32, #tpu.memory_space<hbm>>
    %dma_wait3A_407 = tpu.memref_squeeze %dma_wait3A_406 : memref<1x512xi32, #tpu.memory_space<hbm>> -> memref<512xi32, #tpu.memory_space<hbm>>
    %dma_wait3A_408 = arith.constant 9216 : i32
    %dma_wait3A_409 = tpu.memref_slice %arg6[%dma_wait3A_408] : memref<13312xi32, #tpu.memory_space<vmem>> -> memref<512xi32, #tpu.memory_space<vmem>>
    %dma_wait3A_410 = tpu.memref_slice %arg2[%dma_wait3A_403, %mul3A_2] : memref<26x16384xi32, #tpu.memory_space<hbm>> -> memref<1x512xi32, #tpu.memory_space<hbm>>
    %dma_wait3A_411 = tpu.memref_squeeze %dma_wait3A_410 : memref<1x512xi32, #tpu.memory_space<hbm>> -> memref<512xi32, #tpu.memory_space<hbm>>
    tpu.wait_dma2 semaphore(%arg12 : memref<!tpu.dma_semaphore, #tpu.memory_space<semaphore_mem>>) src(%dma_wait3A_411 : memref<512xi32, #tpu.memory_space<hbm>>) dst(%dma_wait3A_409 : memref<512xi32, #tpu.memory_space<vmem>>)
    %dma_wait3A_412 = arith.constant 19 : i32
    %dma_wait3A_413 = arith.constant 9728 : i32
    %dma_wait3A_414 = tpu.memref_slice %arg6[%dma_wait3A_413] : memref<13312xi32, #tpu.memory_space<vmem>> -> memref<512xi32, #tpu.memory_space<vmem>>
    %dma_wait3A_415 = tpu.memref_slice %arg2[%dma_wait3A_412, %mul3A_2] : memref<26x16384xi32, #tpu.memory_space<hbm>> -> memref<1x512xi32, #tpu.memory_space<hbm>>
    %dma_wait3A_416 = tpu.memref_squeeze %dma_wait3A_415 : memref<1x512xi32, #tpu.memory_space<hbm>> -> memref<512xi32, #tpu.memory_space<hbm>>
    %dma_wait3A_417 = arith.constant 9728 : i32
    %dma_wait3A_418 = tpu.memref_slice %arg6[%dma_wait3A_417] : memref<13312xi32, #tpu.memory_space<vmem>> -> memref<512xi32, #tpu.memory_space<vmem>>
    %dma_wait3A_419 = tpu.memref_slice %arg2[%dma_wait3A_412, %mul3A_2] : memref<26x16384xi32, #tpu.memory_space<hbm>> -> memref<1x512xi32, #tpu.memory_space<hbm>>
    %dma_wait3A_420 = tpu.memref_squeeze %dma_wait3A_419 : memref<1x512xi32, #tpu.memory_space<hbm>> -> memref<512xi32, #tpu.memory_space<hbm>>
    tpu.wait_dma2 semaphore(%arg12 : memref<!tpu.dma_semaphore, #tpu.memory_space<semaphore_mem>>) src(%dma_wait3A_420 : memref<512xi32, #tpu.memory_space<hbm>>) dst(%dma_wait3A_418 : memref<512xi32, #tpu.memory_space<vmem>>)
    %dma_wait3A_421 = arith.constant 20 : i32
    %dma_wait3A_422 = arith.constant 10240 : i32
    %dma_wait3A_423 = tpu.memref_slice %arg6[%dma_wait3A_422] : memref<13312xi32, #tpu.memory_space<vmem>> -> memref<512xi32, #tpu.memory_space<vmem>>
    %dma_wait3A_424 = tpu.memref_slice %arg2[%dma_wait3A_421, %mul3A_2] : memref<26x16384xi32, #tpu.memory_space<hbm>> -> memref<1x512xi32, #tpu.memory_space<hbm>>
    %dma_wait3A_425 = tpu.memref_squeeze %dma_wait3A_424 : memref<1x512xi32, #tpu.memory_space<hbm>> -> memref<512xi32, #tpu.memory_space<hbm>>
    %dma_wait3A_426 = arith.constant 10240 : i32
    %dma_wait3A_427 = tpu.memref_slice %arg6[%dma_wait3A_426] : memref<13312xi32, #tpu.memory_space<vmem>> -> memref<512xi32, #tpu.memory_space<vmem>>
    %dma_wait3A_428 = tpu.memref_slice %arg2[%dma_wait3A_421, %mul3A_2] : memref<26x16384xi32, #tpu.memory_space<hbm>> -> memref<1x512xi32, #tpu.memory_space<hbm>>
    %dma_wait3A_429 = tpu.memref_squeeze %dma_wait3A_428 : memref<1x512xi32, #tpu.memory_space<hbm>> -> memref<512xi32, #tpu.memory_space<hbm>>
    tpu.wait_dma2 semaphore(%arg12 : memref<!tpu.dma_semaphore, #tpu.memory_space<semaphore_mem>>) src(%dma_wait3A_429 : memref<512xi32, #tpu.memory_space<hbm>>) dst(%dma_wait3A_427 : memref<512xi32, #tpu.memory_space<vmem>>)
    %dma_wait3A_430 = arith.constant 21 : i32
    %dma_wait3A_431 = arith.constant 10752 : i32
    %dma_wait3A_432 = tpu.memref_slice %arg6[%dma_wait3A_431] : memref<13312xi32, #tpu.memory_space<vmem>> -> memref<512xi32, #tpu.memory_space<vmem>>
    %dma_wait3A_433 = tpu.memref_slice %arg2[%dma_wait3A_430, %mul3A_2] : memref<26x16384xi32, #tpu.memory_space<hbm>> -> memref<1x512xi32, #tpu.memory_space<hbm>>
    %dma_wait3A_434 = tpu.memref_squeeze %dma_wait3A_433 : memref<1x512xi32, #tpu.memory_space<hbm>> -> memref<512xi32, #tpu.memory_space<hbm>>
    %dma_wait3A_435 = arith.constant 10752 : i32
    %dma_wait3A_436 = tpu.memref_slice %arg6[%dma_wait3A_435] : memref<13312xi32, #tpu.memory_space<vmem>> -> memref<512xi32, #tpu.memory_space<vmem>>
    %dma_wait3A_437 = tpu.memref_slice %arg2[%dma_wait3A_430, %mul3A_2] : memref<26x16384xi32, #tpu.memory_space<hbm>> -> memref<1x512xi32, #tpu.memory_space<hbm>>
    %dma_wait3A_438 = tpu.memref_squeeze %dma_wait3A_437 : memref<1x512xi32, #tpu.memory_space<hbm>> -> memref<512xi32, #tpu.memory_space<hbm>>
    tpu.wait_dma2 semaphore(%arg12 : memref<!tpu.dma_semaphore, #tpu.memory_space<semaphore_mem>>) src(%dma_wait3A_438 : memref<512xi32, #tpu.memory_space<hbm>>) dst(%dma_wait3A_436 : memref<512xi32, #tpu.memory_space<vmem>>)
    %dma_wait3A_439 = arith.constant 22 : i32
    %dma_wait3A_440 = arith.constant 11264 : i32
    %dma_wait3A_441 = tpu.memref_slice %arg6[%dma_wait3A_440] : memref<13312xi32, #tpu.memory_space<vmem>> -> memref<512xi32, #tpu.memory_space<vmem>>
    %dma_wait3A_442 = tpu.memref_slice %arg2[%dma_wait3A_439, %mul3A_2] : memref<26x16384xi32, #tpu.memory_space<hbm>> -> memref<1x512xi32, #tpu.memory_space<hbm>>
    %dma_wait3A_443 = tpu.memref_squeeze %dma_wait3A_442 : memref<1x512xi32, #tpu.memory_space<hbm>> -> memref<512xi32, #tpu.memory_space<hbm>>
    %dma_wait3A_444 = arith.constant 11264 : i32
    %dma_wait3A_445 = tpu.memref_slice %arg6[%dma_wait3A_444] : memref<13312xi32, #tpu.memory_space<vmem>> -> memref<512xi32, #tpu.memory_space<vmem>>
    %dma_wait3A_446 = tpu.memref_slice %arg2[%dma_wait3A_439, %mul3A_2] : memref<26x16384xi32, #tpu.memory_space<hbm>> -> memref<1x512xi32, #tpu.memory_space<hbm>>
    %dma_wait3A_447 = tpu.memref_squeeze %dma_wait3A_446 : memref<1x512xi32, #tpu.memory_space<hbm>> -> memref<512xi32, #tpu.memory_space<hbm>>
    tpu.wait_dma2 semaphore(%arg12 : memref<!tpu.dma_semaphore, #tpu.memory_space<semaphore_mem>>) src(%dma_wait3A_447 : memref<512xi32, #tpu.memory_space<hbm>>) dst(%dma_wait3A_445 : memref<512xi32, #tpu.memory_space<vmem>>)
    %dma_wait3A_448 = arith.constant 23 : i32
    %dma_wait3A_449 = arith.constant 11776 : i32
    %dma_wait3A_450 = tpu.memref_slice %arg6[%dma_wait3A_449] : memref<13312xi32, #tpu.memory_space<vmem>> -> memref<512xi32, #tpu.memory_space<vmem>>
    %dma_wait3A_451 = tpu.memref_slice %arg2[%dma_wait3A_448, %mul3A_2] : memref<26x16384xi32, #tpu.memory_space<hbm>> -> memref<1x512xi32, #tpu.memory_space<hbm>>
    %dma_wait3A_452 = tpu.memref_squeeze %dma_wait3A_451 : memref<1x512xi32, #tpu.memory_space<hbm>> -> memref<512xi32, #tpu.memory_space<hbm>>
    %dma_wait3A_453 = arith.constant 11776 : i32
    %dma_wait3A_454 = tpu.memref_slice %arg6[%dma_wait3A_453] : memref<13312xi32, #tpu.memory_space<vmem>> -> memref<512xi32, #tpu.memory_space<vmem>>
    %dma_wait3A_455 = tpu.memref_slice %arg2[%dma_wait3A_448, %mul3A_2] : memref<26x16384xi32, #tpu.memory_space<hbm>> -> memref<1x512xi32, #tpu.memory_space<hbm>>
    %dma_wait3A_456 = tpu.memref_squeeze %dma_wait3A_455 : memref<1x512xi32, #tpu.memory_space<hbm>> -> memref<512xi32, #tpu.memory_space<hbm>>
    tpu.wait_dma2 semaphore(%arg12 : memref<!tpu.dma_semaphore, #tpu.memory_space<semaphore_mem>>) src(%dma_wait3A_456 : memref<512xi32, #tpu.memory_space<hbm>>) dst(%dma_wait3A_454 : memref<512xi32, #tpu.memory_space<vmem>>)
    %dma_wait3A_457 = arith.constant 24 : i32
    %dma_wait3A_458 = arith.constant 12288 : i32
    %dma_wait3A_459 = tpu.memref_slice %arg6[%dma_wait3A_458] : memref<13312xi32, #tpu.memory_space<vmem>> -> memref<512xi32, #tpu.memory_space<vmem>>
    %dma_wait3A_460 = tpu.memref_slice %arg2[%dma_wait3A_457, %mul3A_2] : memref<26x16384xi32, #tpu.memory_space<hbm>> -> memref<1x512xi32, #tpu.memory_space<hbm>>
    %dma_wait3A_461 = tpu.memref_squeeze %dma_wait3A_460 : memref<1x512xi32, #tpu.memory_space<hbm>> -> memref<512xi32, #tpu.memory_space<hbm>>
    %dma_wait3A_462 = arith.constant 12288 : i32
    %dma_wait3A_463 = tpu.memref_slice %arg6[%dma_wait3A_462] : memref<13312xi32, #tpu.memory_space<vmem>> -> memref<512xi32, #tpu.memory_space<vmem>>
    %dma_wait3A_464 = tpu.memref_slice %arg2[%dma_wait3A_457, %mul3A_2] : memref<26x16384xi32, #tpu.memory_space<hbm>> -> memref<1x512xi32, #tpu.memory_space<hbm>>
    %dma_wait3A_465 = tpu.memref_squeeze %dma_wait3A_464 : memref<1x512xi32, #tpu.memory_space<hbm>> -> memref<512xi32, #tpu.memory_space<hbm>>
    tpu.wait_dma2 semaphore(%arg12 : memref<!tpu.dma_semaphore, #tpu.memory_space<semaphore_mem>>) src(%dma_wait3A_465 : memref<512xi32, #tpu.memory_space<hbm>>) dst(%dma_wait3A_463 : memref<512xi32, #tpu.memory_space<vmem>>)
    %dma_wait3A_466 = arith.constant 25 : i32
    %dma_wait3A_467 = arith.constant 12800 : i32
    %dma_wait3A_468 = tpu.memref_slice %arg6[%dma_wait3A_467] : memref<13312xi32, #tpu.memory_space<vmem>> -> memref<512xi32, #tpu.memory_space<vmem>>
    %dma_wait3A_469 = tpu.memref_slice %arg2[%dma_wait3A_466, %mul3A_2] : memref<26x16384xi32, #tpu.memory_space<hbm>> -> memref<1x512xi32, #tpu.memory_space<hbm>>
    %dma_wait3A_470 = tpu.memref_squeeze %dma_wait3A_469 : memref<1x512xi32, #tpu.memory_space<hbm>> -> memref<512xi32, #tpu.memory_space<hbm>>
    %dma_wait3A_471 = arith.constant 12800 : i32
    %dma_wait3A_472 = tpu.memref_slice %arg6[%dma_wait3A_471] : memref<13312xi32, #tpu.memory_space<vmem>> -> memref<512xi32, #tpu.memory_space<vmem>>
    %dma_wait3A_473 = tpu.memref_slice %arg2[%dma_wait3A_466, %mul3A_2] : memref<26x16384xi32, #tpu.memory_space<hbm>> -> memref<1x512xi32, #tpu.memory_space<hbm>>
    %dma_wait3A_474 = tpu.memref_squeeze %dma_wait3A_473 : memref<1x512xi32, #tpu.memory_space<hbm>> -> memref<512xi32, #tpu.memory_space<hbm>>
    tpu.wait_dma2 semaphore(%arg12 : memref<!tpu.dma_semaphore, #tpu.memory_space<semaphore_mem>>) src(%dma_wait3A_474 : memref<512xi32, #tpu.memory_space<hbm>>) dst(%dma_wait3A_472 : memref<512xi32, #tpu.memory_space<vmem>>)
    "tpu.region"() ({
      %run_scoped3A = tpu.sem_alloc : memref<!tpu.dma_semaphore, #tpu.memory_space<semaphore_mem>>
      tpu.enqueue_dma source(%arg4 : memref<16xf32, #tpu.memory_space<hbm>>) target(%arg9 : memref<16xf32, #tpu.memory_space<vmem>>) target_semaphore(%run_scoped3A : memref<!tpu.dma_semaphore, #tpu.memory_space<semaphore_mem>>)
      tpu.wait_dma2 semaphore(%run_scoped3A : memref<!tpu.dma_semaphore, #tpu.memory_space<semaphore_mem>>) src(%arg4 : memref<16xf32, #tpu.memory_space<hbm>>) dst(%arg9 : memref<16xf32, #tpu.memory_space<vmem>>)
      tpu.yield
    }) : () -> ()
    %dma_start3A_475 = arith.constant 6656 : i32
    %dma_start3A_476 = tpu.memref_slice %arg7[%dma_start3A_475] : memref<13312xf32, #tpu.memory_space<vmem>> -> memref<6656xf32, #tpu.memory_space<vmem>>
    %dma_start3A_477 = arith.constant 6656 : i32
    %dma_start3A_478 = tpu.memref_slice %arg6[%dma_start3A_477] : memref<13312xi32, #tpu.memory_space<vmem>> -> memref<6656xi32, #tpu.memory_space<vmem>>
    %dma_start3A_479 = arith.constant 0 : i32
    %dma_start3A_480 = tpu.memref_slice %arg3[%dma_start3A_479] : memref<2600000xf32, #tpu.memory_space<hbm>> -> memref<2600000xf32, #tpu.memory_space<hbm>>
    tpu.enqueue_indirect_dma source(%dma_start3A_480 : memref<2600000xf32, #tpu.memory_space<hbm>>) target(%dma_start3A_476 : memref<6656xf32, #tpu.memory_space<vmem>>) offsets(%dma_start3A_478 : memref<6656xi32, #tpu.memory_space<vmem>>) semaphore(%arg11 : memref<!tpu.dma_semaphore, #tpu.memory_space<semaphore_mem>>)
    %get3A = arith.constant 0 : index
    %get3A_481 = tpu.vector_load %arg9[%get3A] {strides = array<i32>} : memref<16xf32, #tpu.memory_space<vmem>>, vector<16xf32>,
    %get3A_482 = vector.shape_cast %get3A_481 : vector<16xf32> to vector<16xf32>
    %dma_wait3A_483 = arith.constant 0 : i32
    %dma_wait3A_484 = tpu.memref_slice %arg7[%dma_wait3A_483] : memref<13312xf32, #tpu.memory_space<vmem>> -> memref<6656xf32, #tpu.memory_space<vmem>>
    %dma_wait3A_485 = arith.constant 0 : i32
    %dma_wait3A_486 = tpu.memref_slice %arg6[%dma_wait3A_485] : memref<13312xi32, #tpu.memory_space<vmem>> -> memref<6656xi32, #tpu.memory_space<vmem>>
    %dma_wait3A_487 = arith.constant 0 : i32
    %dma_wait3A_488 = tpu.memref_slice %arg3[%dma_wait3A_487] : memref<2600000xf32, #tpu.memory_space<hbm>> -> memref<2600000xf32, #tpu.memory_space<hbm>>
    tpu.wait_indirect_dma semaphore(%arg10 : memref<!tpu.dma_semaphore, #tpu.memory_space<semaphore_mem>>) src(%dma_wait3A_488 : memref<2600000xf32, #tpu.memory_space<hbm>>) dst(%dma_wait3A_484 : memref<6656xf32, #tpu.memory_space<vmem>>)
    %scan3A = arith.constant 0 : i32
    %scan3A_489 = arith.constant 0 : i32
    %scan3A_490 = arith.constant 32 : i32
    %scan3A_491 = arith.addi %scan3A_489, %scan3A_490 : i32
    %scan3A_492 = arith.constant 1 : i32
    %scan3A_493 = scf.for %scan3A_510 = %scan3A_489 to %scan3A_491 step %scan3A_492 iter_args(%scan3A_511 = %scan3A) -> (i32)  : i32 {
      %mul3A_512 = arith.constant 16 : i32
      %mul3A_513 = arith.muli %scan3A_510, %mul3A_512 : i32
      %get3A_514 = arith.index_cast %mul3A_513 : i32 to index
      %get3A_515 = tpu.vector_load %arg7[%get3A_514] {strides = array<i32>} : memref<13312xf32, #tpu.memory_space<vmem>>, vector<16xf32>,
      %get3A_516 = vector.shape_cast %get3A_515 : vector<16xf32> to vector<16xf32>
      %mul3A_517 = arith.constant 16 : i32
      %mul3A_518 = arith.muli %scan3A_510, %mul3A_517 : i32
      %add3A_519 = arith.constant 512 : i32
      %add3A_520 = arith.addi %add3A_519, %mul3A_518 : i32
      %get3A_521 = arith.index_cast %add3A_520 : i32 to index
      %get3A_522 = tpu.vector_load %arg7[%get3A_521] {strides = array<i32>} : memref<13312xf32, #tpu.memory_space<vmem>>, vector<16xf32>,
      %get3A_523 = vector.shape_cast %get3A_522 : vector<16xf32> to vector<16xf32>
      %add3A_524 = arith.addf %get3A_482, %get3A_523 : vector<16xf32>
      %mul3A_525 = arith.constant 16 : i32
      %mul3A_526 = arith.muli %scan3A_510, %mul3A_525 : i32
      %add3A_527 = arith.constant 1536 : i32
      %add3A_528 = arith.addi %add3A_527, %mul3A_526 : i32
      %get3A_529 = arith.index_cast %add3A_528 : i32 to index
      %get3A_530 = tpu.vector_load %arg7[%get3A_529] {strides = array<i32>} : memref<13312xf32, #tpu.memory_space<vmem>>, vector<16xf32>,
      %get3A_531 = vector.shape_cast %get3A_530 : vector<16xf32> to vector<16xf32>
      %add3A_532 = arith.addf %add3A_524, %get3A_531 : vector<16xf32>
      %mul3A_533 = arith.constant 16 : i32
      %mul3A_534 = arith.muli %scan3A_510, %mul3A_533 : i32
      %add3A_535 = arith.constant 2560 : i32
      %add3A_536 = arith.addi %add3A_535, %mul3A_534 : i32
      %get3A_537 = arith.index_cast %add3A_536 : i32 to index
      %get3A_538 = tpu.vector_load %arg7[%get3A_537] {strides = array<i32>} : memref<13312xf32, #tpu.memory_space<vmem>>, vector<16xf32>,
      %get3A_539 = vector.shape_cast %get3A_538 : vector<16xf32> to vector<16xf32>
      %add3A_540 = arith.addf %add3A_532, %get3A_539 : vector<16xf32>
      %mul3A_541 = arith.constant 16 : i32
      %mul3A_542 = arith.muli %scan3A_510, %mul3A_541 : i32
      %add3A_543 = arith.constant 3584 : i32
      %add3A_544 = arith.addi %add3A_543, %mul3A_542 : i32
      %get3A_545 = arith.index_cast %add3A_544 : i32 to index
      %get3A_546 = tpu.vector_load %arg7[%get3A_545] {strides = array<i32>} : memref<13312xf32, #tpu.memory_space<vmem>>, vector<16xf32>,
      %get3A_547 = vector.shape_cast %get3A_546 : vector<16xf32> to vector<16xf32>
      %add3A_548 = arith.addf %add3A_540, %get3A_547 : vector<16xf32>
      %mul3A_549 = arith.constant 16 : i32
      %mul3A_550 = arith.muli %scan3A_510, %mul3A_549 : i32
      %add3A_551 = arith.constant 4608 : i32
      %add3A_552 = arith.addi %add3A_551, %mul3A_550 : i32
      %get3A_553 = arith.index_cast %add3A_552 : i32 to index
      %get3A_554 = tpu.vector_load %arg7[%get3A_553] {strides = array<i32>} : memref<13312xf32, #tpu.memory_space<vmem>>, vector<16xf32>,
      %get3A_555 = vector.shape_cast %get3A_554 : vector<16xf32> to vector<16xf32>
      %add3A_556 = arith.addf %add3A_548, %get3A_555 : vector<16xf32>
      %mul3A_557 = arith.constant 16 : i32
      %mul3A_558 = arith.muli %scan3A_510, %mul3A_557 : i32
      %add3A_559 = arith.constant 5632 : i32
      %add3A_560 = arith.addi %add3A_559, %mul3A_558 : i32
      %get3A_561 = arith.index_cast %add3A_560 : i32 to index
      %get3A_562 = tpu.vector_load %arg7[%get3A_561] {strides = array<i32>} : memref<13312xf32, #tpu.memory_space<vmem>>, vector<16xf32>,
      %get3A_563 = vector.shape_cast %get3A_562 : vector<16xf32> to vector<16xf32>
      %add3A_564 = arith.addf %add3A_556, %get3A_563 : vector<16xf32>
      %mul3A_565 = arith.constant 16 : i32
      %mul3A_566 = arith.muli %scan3A_510, %mul3A_565 : i32
      %add3A_567 = arith.constant 1024 : i32
      %add3A_568 = arith.addi %add3A_567, %mul3A_566 : i32
      %get3A_569 = arith.index_cast %add3A_568 : i32 to index
      %get3A_570 = tpu.vector_load %arg7[%get3A_569] {strides = array<i32>} : memref<13312xf32, #tpu.memory_space<vmem>>, vector<16xf32>,
      %get3A_571 = vector.shape_cast %get3A_570 : vector<16xf32> to vector<16xf32>
      %add3A_572 = arith.addf %get3A_516, %get3A_571 : vector<16xf32>
      %mul3A_573 = arith.constant 16 : i32
      %mul3A_574 = arith.muli %scan3A_510, %mul3A_573 : i32
      %add3A_575 = arith.constant 2048 : i32
      %add3A_576 = arith.addi %add3A_575, %mul3A_574 : i32
      %get3A_577 = arith.index_cast %add3A_576 : i32 to index
      %get3A_578 = tpu.vector_load %arg7[%get3A_577] {strides = array<i32>} : memref<13312xf32, #tpu.memory_space<vmem>>, vector<16xf32>,
      %get3A_579 = vector.shape_cast %get3A_578 : vector<16xf32> to vector<16xf32>
      %add3A_580 = arith.addf %add3A_572, %get3A_579 : vector<16xf32>
      %mul3A_581 = arith.constant 16 : i32
      %mul3A_582 = arith.muli %scan3A_510, %mul3A_581 : i32
      %add3A_583 = arith.constant 3072 : i32
      %add3A_584 = arith.addi %add3A_583, %mul3A_582 : i32
      %get3A_585 = arith.index_cast %add3A_584 : i32 to index
      %get3A_586 = tpu.vector_load %arg7[%get3A_585] {strides = array<i32>} : memref<13312xf32, #tpu.memory_space<vmem>>, vector<16xf32>,
      %get3A_587 = vector.shape_cast %get3A_586 : vector<16xf32> to vector<16xf32>
      %add3A_588 = arith.addf %add3A_580, %get3A_587 : vector<16xf32>
      %mul3A_589 = arith.constant 16 : i32
      %mul3A_590 = arith.muli %scan3A_510, %mul3A_589 : i32
      %add3A_591 = arith.constant 4096 : i32
      %add3A_592 = arith.addi %add3A_591, %mul3A_590 : i32
      %get3A_593 = arith.index_cast %add3A_592 : i32 to index
      %get3A_594 = tpu.vector_load %arg7[%get3A_593] {strides = array<i32>} : memref<13312xf32, #tpu.memory_space<vmem>>, vector<16xf32>,
      %get3A_595 = vector.shape_cast %get3A_594 : vector<16xf32> to vector<16xf32>
      %add3A_596 = arith.addf %add3A_588, %get3A_595 : vector<16xf32>
      %mul3A_597 = arith.constant 16 : i32
      %mul3A_598 = arith.muli %scan3A_510, %mul3A_597 : i32
      %add3A_599 = arith.constant 5120 : i32
      %add3A_600 = arith.addi %add3A_599, %mul3A_598 : i32
      %get3A_601 = arith.index_cast %add3A_600 : i32 to index
      %get3A_602 = tpu.vector_load %arg7[%get3A_601] {strides = array<i32>} : memref<13312xf32, #tpu.memory_space<vmem>>, vector<16xf32>,
      %get3A_603 = vector.shape_cast %get3A_602 : vector<16xf32> to vector<16xf32>
      %add3A_604 = arith.addf %add3A_596, %get3A_603 : vector<16xf32>
      %mul3A_605 = arith.constant 16 : i32
      %mul3A_606 = arith.muli %scan3A_510, %mul3A_605 : i32
      %add3A_607 = arith.constant 6144 : i32
      %add3A_608 = arith.addi %add3A_607, %mul3A_606 : i32
      %get3A_609 = arith.index_cast %add3A_608 : i32 to index
      %get3A_610 = tpu.vector_load %arg7[%get3A_609] {strides = array<i32>} : memref<13312xf32, #tpu.memory_space<vmem>>, vector<16xf32>,
      %get3A_611 = vector.shape_cast %get3A_610 : vector<16xf32> to vector<16xf32>
      %add3A_612 = arith.addf %add3A_604, %get3A_611 : vector<16xf32>
      %add3A_613 = arith.addf %add3A_564, %add3A_612 : vector<16xf32>
      %mul3A_614 = arith.constant 16 : i32
      %mul3A_615 = arith.muli %scan3A_510, %mul3A_614 : i32
      %swap3A = arith.index_cast %mul3A_615 : i32 to index
      %swap3A_616 = tpu.vector_load %arg8[%swap3A] {strides = array<i32>} : memref<512xf32, #tpu.memory_space<vmem>>, vector<16xf32>,
      %swap3A_617 = vector.shape_cast %swap3A_616 : vector<16xf32> to vector<16xf32>
      %swap3A_618 = vector.shape_cast %add3A_613 : vector<16xf32> to vector<16xf32>
      tpu.vector_store %arg8[%swap3A], %swap3A_618 {strides = array<i32>} : memref<512xf32, #tpu.memory_space<vmem>>, vector<16xf32>,
      %scan3A_619 = arith.constant 0 : i32
      scf.yield %scan3A_619 : i32
    }
    %scan3A_494 = arith.constant 32 : i32
    %dma_wait3A_495 = arith.constant 6656 : i32
    %dma_wait3A_496 = tpu.memref_slice %arg7[%dma_wait3A_495] : memref<13312xf32, #tpu.memory_space<vmem>> -> memref<6656xf32, #tpu.memory_space<vmem>>
    %dma_wait3A_497 = arith.constant 6656 : i32
    %dma_wait3A_498 = tpu.memref_slice %arg6[%dma_wait3A_497] : memref<13312xi32, #tpu.memory_space<vmem>> -> memref<6656xi32, #tpu.memory_space<vmem>>
    %dma_wait3A_499 = arith.constant 0 : i32
    %dma_wait3A_500 = tpu.memref_slice %arg3[%dma_wait3A_499] : memref<2600000xf32, #tpu.memory_space<hbm>> -> memref<2600000xf32, #tpu.memory_space<hbm>>
    tpu.wait_indirect_dma semaphore(%arg11 : memref<!tpu.dma_semaphore, #tpu.memory_space<semaphore_mem>>) src(%dma_wait3A_500 : memref<2600000xf32, #tpu.memory_space<hbm>>) dst(%dma_wait3A_496 : memref<6656xf32, #tpu.memory_space<vmem>>)
    %scan3A_501 = arith.constant 0 : i32
    %scan3A_502 = arith.constant 0 : i32
    %scan3A_503 = arith.constant 32 : i32
    %scan3A_504 = arith.addi %scan3A_502, %scan3A_503 : i32
    %scan3A_505 = arith.constant 1 : i32
    %scan3A_506 = scf.for %scan3A_510 = %scan3A_502 to %scan3A_504 step %scan3A_505 iter_args(%scan3A_511 = %scan3A_501) -> (i32)  : i32 {
      %mul3A_512 = arith.constant 16 : i32
      %mul3A_513 = arith.muli %scan3A_510, %mul3A_512 : i32
      %get3A_514 = arith.index_cast %mul3A_513 : i32 to index
      %get3A_515 = tpu.vector_load %arg8[%get3A_514] {strides = array<i32>} : memref<512xf32, #tpu.memory_space<vmem>>, vector<16xf32>,
      %get3A_516 = vector.shape_cast %get3A_515 : vector<16xf32> to vector<16xf32>
      %mul3A_517 = arith.constant 16 : i32
      %mul3A_518 = arith.muli %scan3A_510, %mul3A_517 : i32
      %add3A_519 = arith.constant 6656 : i32
      %add3A_520 = arith.addi %add3A_519, %mul3A_518 : i32
      %get3A_521 = arith.index_cast %add3A_520 : i32 to index
      %get3A_522 = tpu.vector_load %arg7[%get3A_521] {strides = array<i32>} : memref<13312xf32, #tpu.memory_space<vmem>>, vector<16xf32>,
      %get3A_523 = vector.shape_cast %get3A_522 : vector<16xf32> to vector<16xf32>
      %mul3A_524 = arith.constant 16 : i32
      %mul3A_525 = arith.muli %scan3A_510, %mul3A_524 : i32
      %add3A_526 = arith.constant 7168 : i32
      %add3A_527 = arith.addi %add3A_526, %mul3A_525 : i32
      %get3A_528 = arith.index_cast %add3A_527 : i32 to index
      %get3A_529 = tpu.vector_load %arg7[%get3A_528] {strides = array<i32>} : memref<13312xf32, #tpu.memory_space<vmem>>, vector<16xf32>,
      %get3A_530 = vector.shape_cast %get3A_529 : vector<16xf32> to vector<16xf32>
      %add3A_531 = arith.addf %get3A_516, %get3A_530 : vector<16xf32>
      %mul3A_532 = arith.constant 16 : i32
      %mul3A_533 = arith.muli %scan3A_510, %mul3A_532 : i32
      %add3A_534 = arith.constant 8192 : i32
      %add3A_535 = arith.addi %add3A_534, %mul3A_533 : i32
      %get3A_536 = arith.index_cast %add3A_535 : i32 to index
      %get3A_537 = tpu.vector_load %arg7[%get3A_536] {strides = array<i32>} : memref<13312xf32, #tpu.memory_space<vmem>>, vector<16xf32>,
      %get3A_538 = vector.shape_cast %get3A_537 : vector<16xf32> to vector<16xf32>
      %add3A_539 = arith.addf %add3A_531, %get3A_538 : vector<16xf32>
      %mul3A_540 = arith.constant 16 : i32
      %mul3A_541 = arith.muli %scan3A_510, %mul3A_540 : i32
      %add3A_542 = arith.constant 9216 : i32
      %add3A_543 = arith.addi %add3A_542, %mul3A_541 : i32
      %get3A_544 = arith.index_cast %add3A_543 : i32 to index
      %get3A_545 = tpu.vector_load %arg7[%get3A_544] {strides = array<i32>} : memref<13312xf32, #tpu.memory_space<vmem>>, vector<16xf32>,
      %get3A_546 = vector.shape_cast %get3A_545 : vector<16xf32> to vector<16xf32>
      %add3A_547 = arith.addf %add3A_539, %get3A_546 : vector<16xf32>
      %mul3A_548 = arith.constant 16 : i32
      %mul3A_549 = arith.muli %scan3A_510, %mul3A_548 : i32
      %add3A_550 = arith.constant 10240 : i32
      %add3A_551 = arith.addi %add3A_550, %mul3A_549 : i32
      %get3A_552 = arith.index_cast %add3A_551 : i32 to index
      %get3A_553 = tpu.vector_load %arg7[%get3A_552] {strides = array<i32>} : memref<13312xf32, #tpu.memory_space<vmem>>, vector<16xf32>,
      %get3A_554 = vector.shape_cast %get3A_553 : vector<16xf32> to vector<16xf32>
      %add3A_555 = arith.addf %add3A_547, %get3A_554 : vector<16xf32>
      %mul3A_556 = arith.constant 16 : i32
      %mul3A_557 = arith.muli %scan3A_510, %mul3A_556 : i32
      %add3A_558 = arith.constant 11264 : i32
      %add3A_559 = arith.addi %add3A_558, %mul3A_557 : i32
      %get3A_560 = arith.index_cast %add3A_559 : i32 to index
      %get3A_561 = tpu.vector_load %arg7[%get3A_560] {strides = array<i32>} : memref<13312xf32, #tpu.memory_space<vmem>>, vector<16xf32>,
      %get3A_562 = vector.shape_cast %get3A_561 : vector<16xf32> to vector<16xf32>
      %add3A_563 = arith.addf %add3A_555, %get3A_562 : vector<16xf32>
      %mul3A_564 = arith.constant 16 : i32
      %mul3A_565 = arith.muli %scan3A_510, %mul3A_564 : i32
      %add3A_566 = arith.constant 12288 : i32
      %add3A_567 = arith.addi %add3A_566, %mul3A_565 : i32
      %get3A_568 = arith.index_cast %add3A_567 : i32 to index
      %get3A_569 = tpu.vector_load %arg7[%get3A_568] {strides = array<i32>} : memref<13312xf32, #tpu.memory_space<vmem>>, vector<16xf32>,
      %get3A_570 = vector.shape_cast %get3A_569 : vector<16xf32> to vector<16xf32>
      %add3A_571 = arith.addf %add3A_563, %get3A_570 : vector<16xf32>
      %mul3A_572 = arith.constant 16 : i32
      %mul3A_573 = arith.muli %scan3A_510, %mul3A_572 : i32
      %add3A_574 = arith.constant 7680 : i32
      %add3A_575 = arith.addi %add3A_574, %mul3A_573 : i32
      %get3A_576 = arith.index_cast %add3A_575 : i32 to index
      %get3A_577 = tpu.vector_load %arg7[%get3A_576] {strides = array<i32>} : memref<13312xf32, #tpu.memory_space<vmem>>, vector<16xf32>,
      %get3A_578 = vector.shape_cast %get3A_577 : vector<16xf32> to vector<16xf32>
      %add3A_579 = arith.addf %get3A_523, %get3A_578 : vector<16xf32>
      %mul3A_580 = arith.constant 16 : i32
      %mul3A_581 = arith.muli %scan3A_510, %mul3A_580 : i32
      %add3A_582 = arith.constant 8704 : i32
      %add3A_583 = arith.addi %add3A_582, %mul3A_581 : i32
      %get3A_584 = arith.index_cast %add3A_583 : i32 to index
      %get3A_585 = tpu.vector_load %arg7[%get3A_584] {strides = array<i32>} : memref<13312xf32, #tpu.memory_space<vmem>>, vector<16xf32>,
      %get3A_586 = vector.shape_cast %get3A_585 : vector<16xf32> to vector<16xf32>
      %add3A_587 = arith.addf %add3A_579, %get3A_586 : vector<16xf32>
      %mul3A_588 = arith.constant 16 : i32
      %mul3A_589 = arith.muli %scan3A_510, %mul3A_588 : i32
      %add3A_590 = arith.constant 9728 : i32
      %add3A_591 = arith.addi %add3A_590, %mul3A_589 : i32
      %get3A_592 = arith.index_cast %add3A_591 : i32 to index
      %get3A_593 = tpu.vector_load %arg7[%get3A_592] {strides = array<i32>} : memref<13312xf32, #tpu.memory_space<vmem>>, vector<16xf32>,
      %get3A_594 = vector.shape_cast %get3A_593 : vector<16xf32> to vector<16xf32>
      %add3A_595 = arith.addf %add3A_587, %get3A_594 : vector<16xf32>
      %mul3A_596 = arith.constant 16 : i32
      %mul3A_597 = arith.muli %scan3A_510, %mul3A_596 : i32
      %add3A_598 = arith.constant 10752 : i32
      %add3A_599 = arith.addi %add3A_598, %mul3A_597 : i32
      %get3A_600 = arith.index_cast %add3A_599 : i32 to index
      %get3A_601 = tpu.vector_load %arg7[%get3A_600] {strides = array<i32>} : memref<13312xf32, #tpu.memory_space<vmem>>, vector<16xf32>,
      %get3A_602 = vector.shape_cast %get3A_601 : vector<16xf32> to vector<16xf32>
      %add3A_603 = arith.addf %add3A_595, %get3A_602 : vector<16xf32>
      %mul3A_604 = arith.constant 16 : i32
      %mul3A_605 = arith.muli %scan3A_510, %mul3A_604 : i32
      %add3A_606 = arith.constant 11776 : i32
      %add3A_607 = arith.addi %add3A_606, %mul3A_605 : i32
      %get3A_608 = arith.index_cast %add3A_607 : i32 to index
      %get3A_609 = tpu.vector_load %arg7[%get3A_608] {strides = array<i32>} : memref<13312xf32, #tpu.memory_space<vmem>>, vector<16xf32>,
      %get3A_610 = vector.shape_cast %get3A_609 : vector<16xf32> to vector<16xf32>
      %add3A_611 = arith.addf %add3A_603, %get3A_610 : vector<16xf32>
      %mul3A_612 = arith.constant 16 : i32
      %mul3A_613 = arith.muli %scan3A_510, %mul3A_612 : i32
      %add3A_614 = arith.constant 12800 : i32
      %add3A_615 = arith.addi %add3A_614, %mul3A_613 : i32
      %get3A_616 = arith.index_cast %add3A_615 : i32 to index
      %get3A_617 = tpu.vector_load %arg7[%get3A_616] {strides = array<i32>} : memref<13312xf32, #tpu.memory_space<vmem>>, vector<16xf32>,
      %get3A_618 = vector.shape_cast %get3A_617 : vector<16xf32> to vector<16xf32>
      %add3A_619 = arith.addf %add3A_611, %get3A_618 : vector<16xf32>
      %add3A_620 = arith.addf %add3A_571, %add3A_619 : vector<16xf32>
      %mul3A_621 = arith.constant 16 : i32
      %mul3A_622 = arith.muli %scan3A_510, %mul3A_621 : i32
      %swap3A = arith.index_cast %mul3A_622 : i32 to index
      %swap3A_623 = tpu.vector_load %arg8[%swap3A] {strides = array<i32>} : memref<512xf32, #tpu.memory_space<vmem>>, vector<16xf32>,
      %swap3A_624 = vector.shape_cast %swap3A_623 : vector<16xf32> to vector<16xf32>
      %swap3A_625 = vector.shape_cast %add3A_620 : vector<16xf32> to vector<16xf32>
      tpu.vector_store %arg8[%swap3A], %swap3A_625 {strides = array<i32>} : memref<512xf32, #tpu.memory_space<vmem>>, vector<16xf32>,
      %scan3A_626 = arith.constant 0 : i32
      scf.yield %scan3A_626 : i32
    }
    %scan3A_507 = arith.constant 32 : i32
    %mul3A_508 = arith.constant 512 : i32
    %mul3A_509 = arith.muli %add3A, %mul3A_508 : i32
    "tpu.region"() ({
      %run_scoped3A = tpu.sem_alloc : memref<!tpu.dma_semaphore, #tpu.memory_space<semaphore_mem>>
      %dma_start3A_510 = tpu.memref_slice %arg5[%mul3A_509] : memref<16384xf32, #tpu.memory_space<hbm>> -> memref<512xf32, #tpu.memory_space<hbm>>
      %dma_start3A_511 = tpu.memref_slice %arg5[%mul3A_509] : memref<16384xf32, #tpu.memory_space<hbm>> -> memref<512xf32, #tpu.memory_space<hbm>>
      tpu.enqueue_dma source(%arg8 : memref<512xf32, #tpu.memory_space<vmem>>) target(%dma_start3A_511 : memref<512xf32, #tpu.memory_space<hbm>>) target_semaphore(%run_scoped3A : memref<!tpu.dma_semaphore, #tpu.memory_space<semaphore_mem>>)
      %dma_wait3A_512 = tpu.memref_slice %arg5[%mul3A_509] : memref<16384xf32, #tpu.memory_space<hbm>> -> memref<512xf32, #tpu.memory_space<hbm>>
      %dma_wait3A_513 = tpu.memref_slice %arg5[%mul3A_509] : memref<16384xf32, #tpu.memory_space<hbm>> -> memref<512xf32, #tpu.memory_space<hbm>>
      tpu.wait_dma2 semaphore(%run_scoped3A : memref<!tpu.dma_semaphore, #tpu.memory_space<semaphore_mem>>) src(%arg8 : memref<512xf32, #tpu.memory_space<vmem>>) dst(%dma_wait3A_513 : memref<512xf32, #tpu.memory_space<hbm>>)
      tpu.yield
    }) : () -> ()
    return
  }
}

</mosaic_0001>

<sc_bundles>
// kernel: kernel.3.cloned.1.call-start
scs
__scs_entry_jumppad:
0x0: {  	(pc) =	sbr.rel $0x88, $3  }
0x1: {  	(tag) =	ssettag $0x0;
	lr =	simm.s32 $0x1  }
0x2: {  	[smem:$0x3F9E] =	sst lr;
	_ =	strace $0xD0000000  }
0x3: {  	_ = 	snop  }
0x4: {  	_ = 	snop  }
0x5: {  	_ = 	snop  }
0x6: {  	_ = 	snop  }
0x7: {  	_ = 	snop  }
__scs_overlays_trampoline_lowered:
0x8: {  	[smem:$0x3FAD] =	sst s0  }
0x9: {  	[smem:$0x3FAE] =	sst s1  }
0xa: {  	[smem:$0x3FAF] =	sst s2  }
0xb: {  	[smem:$0x3FB0] =	sst s3  }
0xc: {  	[smem:$0x3FB1] =	sst s4  }
0xd: {  	[smem:$0x3FB2] =	sst s5  }
0xe: {  	[smem:$0x3FB3] =	sst s6  }
0xf: {  	[smem:$0x3FB4] =	sst s7  }
0x10: {  	[smem:$0x3FB5] =	sst s8  }
0x11: {  	[smem:$0x3FB6] =	sst s9;
	s0 =	simm.s32 @!p0 $0x0  }
0x12: {  	s1 =	sld [smem:$0x3F9C];
	s0 =	simm.s32 @p0 $0x1  }
0x13: {  	[smem:$0x3FB7] =	sst s0;
	s0 =	simm.s32 @!p1 $0x0  }
0x14: {  	s2 =	sld [smem:$0x3F9B];
	s0 =	simm.s32 @p1 $0x1  }
0x15: {  	[smem:$0x3FB8] =	sst s0;
	s0 =	simm.s32 @!p2 $0x0  }
0x16: {  	s3 =	sld [smem:$0x3FDB];
	s0 =	simm.s32 @p2 $0x1  }
0x17: {  	s4 =	simm.s32 $0x1BF5;
	[smem:$0x3FBA] =	sst s0  }
0x18: {  	s0 =	sld [smem:$0x3F9D];
	_ =	swait.ge [sflag:s4], $0x0  }
0x19: {  	s7 =	sld [smem:$0x3F9E]  }
0x1a: {  	s8 =	sadd.s32 $0xFFFFE003, lr  }
0x1b: {  	s9 =	sadd.s32 $0xFFFFFEF7, lr;
	s5 =	simm.s32 $0xFFFFFFFF;
	p2 =	slt.u32 s8, $0xFFFFF086  }
0x1c: {  	p1 =	slt.u32 s9, $0xF7A;
	s5 =	simm.s32 @!p2 $0x0  }
0x1d: {  	s5 =	simm.s32 @p1 $0x1;
	p0 =	seq.s32 s7, s2  }
0x1e: {  	s7 =	smul.u32 @!p0 $0xF7A, s2;
	p2 =	seq.s32 @!p0 s5, $0x0  }
0x1f: {  	s9 =	smul.u32 $0xF7A, s1;
	s8 =	simm.s32 @!p0 $0x1BF5;
	p2 =	por !p2, p0  }
0x20: {  	[sflag:s8] =	ssyncset.s32 @!p0 $0xFFFFF086;
	s6 =	sadd.s32 @!p0 s3, s7;
	s7 =	simm.s32 @!p0 $0x108  }
0x21: {  	s3 =	sadd.s32 s3, s9;
	s6 =	sadd.s32 @!p0 $0x88, s6;
	s7 =	simm.s32 @p2 $0x1082  }
0x22: {  	[simem:s7], [sflag:s8] =	dma.local @!p0 [hbm:s6], $0xF7A  }
0x23: {  	s9 =	sor.u32 $0xD0000000, s2;
	s6 =	simm.s32 $0x108;
	_ =	swait.ge @!p0 [sflag:s8], $0x0  }
0x24: {  	s3 =	sadd.s32 $0x88, s3;
	s6 =	simm.s32 @!p1 $0x1082;
	[sflag:s4] =	ssyncset.s32 $0xFFFFF086  }
0x25: {  	[simem:s6], [sflag:s4] =	dma.local [hbm:s3], $0xF7A  }
0x26: {  	[smem:$0x3F9E] =	sst s1;
	(tag) =	ssettag s2;
	_ =	strace s9  }
0x27: {  	s1 =	sld [smem:$0x3FAE]  }
0x28: {  	s2 =	sld [smem:$0x3FAF]  }
0x29: {  	s4 =	sld [smem:$0x3FB1]  }
0x2a: {  	p0 =	seq.s32 s5, $0x0;
	s5 =	sld [smem:$0x3FB2]  }
0x2b: {  	s6 =	sld [smem:$0x3FB3]  }
0x2c: {  	s7 =	sld [smem:$0x3FB4]  }
0x2d: {  	s3 =	simm.s32 $0x108;
	s8 =	sld [smem:$0x3FB5]  }
0x2e: {  	s3 =	simm.s32 @!p0 $0x1082;
	s9 =	sld [smem:$0x3FB6]  }
0x2f: {  	lr =	sadd.s32 s0, s3;
	s0 =	sld [smem:$0x3FAD]  }
0x30: {  	s3 =	sld [smem:$0x3FB0]  }
0x31: {  	[smem:$0x3FB9] =	sst s10  }
0x32: {  	s10 =	sld [smem:$0x3FB7];
	_ =	sdelay $0x3  }
0x33: {  	p0 =	seq.s32 s10, $0x1;
	s10 =	sld [smem:$0x3FB9];
	_ =	sdelay $0x3  }
0x34: {  	[smem:$0x3FB9] =	sst s10  }
0x35: {  	s10 =	sld [smem:$0x3FB8];
	_ =	sdelay $0x3  }
0x36: {  	p1 =	seq.s32 s10, $0x1;
	s10 =	sld [smem:$0x3FB9];
	_ =	sdelay $0x3  }
0x37: {  	[smem:$0x3FB9] =	sst s10  }
0x38: {  	s10 =	sld [smem:$0x3FBA]  }
0x39: {  	_ = 	snop;
	(pc) =	sbr.ind lr, $3  }
0x3a: {  	_ = 	snop  }
0x3b: {  	_ = 	snop  }
0x3c: {  	p2 =	seq.s32 s10, $0x1;
	s10 =	sld [smem:$0x3FB9]  }
0x3d: {  	_ =	shalt  }
0x3e: {  	_ =	shalt  }
0x3f: {  	_ =	shalt  }
0x40: {  	_ =	shalt  }
0x41: {  	_ =	shalt  }
0x42: {  	_ =	shalt  }
0x43: {  	_ =	shalt  }
0x44: {  	_ =	shalt  }
0x45: {  	_ =	shalt  }
0x46: {  	_ =	shalt  }
0x47: {  	_ =	shalt  }
0x48: {  	_ =	shalt  }
0x49: {  	_ =	shalt  }
0x4a: {  	_ =	shalt  }
0x4b: {  	_ =	shalt  }
0x4c: {  	_ =	shalt  }
0x4d: {  	_ =	shalt  }
0x4e: {  	_ =	shalt  }
0x4f: {  	_ =	shalt  }
0x50: {  	_ =	shalt  }
0x51: {  	_ =	shalt  }
0x52: {  	_ =	shalt  }
0x53: {  	_ =	shalt  }
0x54: {  	_ =	shalt  }
0x55: {  	_ =	shalt  }
0x56: {  	_ =	shalt  }
0x57: {  	_ =	shalt  }
0x58: {  	_ =	shalt  }
0x59: {  	_ =	shalt  }
0x5a: {  	_ =	shalt  }
0x5b: {  	_ =	shalt  }
0x5c: {  	_ =	shalt  }
0x5d: {  	_ =	shalt  }
0x5e: {  	_ =	shalt  }
0x5f: {  	_ =	shalt  }
0x60: {  	_ =	shalt  }
0x61: {  	_ =	shalt  }
0x62: {  	_ =	shalt  }
0x63: {  	_ =	shalt  }
0x64: {  	_ =	shalt  }
0x65: {  	_ =	shalt  }
0x66: {  	_ =	shalt  }
0x67: {  	_ =	shalt  }
0x68: {  	_ =	shalt  }
0x69: {  	_ =	shalt  }
0x6a: {  	_ =	shalt  }
0x6b: {  	_ =	shalt  }
0x6c: {  	_ =	shalt  }
0x6d: {  	_ =	shalt  }
0x6e: {  	_ =	shalt  }
0x6f: {  	_ =	shalt  }
0x70: {  	_ =	shalt  }
0x71: {  	_ =	shalt  }
0x72: {  	_ =	shalt  }
0x73: {  	_ =	shalt  }
0x74: {  	_ =	shalt  }
0x75: {  	_ =	shalt  }
0x76: {  	_ =	shalt  }
0x77: {  	_ =	shalt  }
0x78: {  	_ =	shalt  }
0x79: {  	_ =	shalt  }
0x7a: {  	_ =	shalt  }
0x7b: {  	_ =	shalt  }
0x7c: {  	_ =	shalt  }
0x7d: {  	_ =	shalt  }
0x7e: {  	_ =	shalt  }
0x7f: {  	_ =	shalt  }
0x80: {  	_ =	shalt  }
0x81: {  	_ =	shalt  }
0x82: {  	_ =	shalt  }
0x83: {  	_ =	shalt  }
0x84: {  	_ =	shalt  }
0x85: {  	_ =	shalt  }
0x86: {  	_ =	shalt  }
0x87: {  	_ =	shalt  }
.Lfunc_end0:
.L_simem_size_0:
called_computation_lowered:
.L_overlay_start_0:
0x88: {  	s2 =	sld [smem:$0x3FD9]  }
0x89: {  	s3 =	sld [smem:$0x3FFE];
	_ =	sdelay $0x1  }
0x8a: {  	s1 =	srdreg.scid  }
0x8b: {  	s0 =	sand.u32 $0x1, s1  }
0x8c: {  	s17 =	sshll.u32 s0, $0xA;
	s2 =	sadd.s32 s3, s2  }
0x8d: {  	s2 =	sadd.s32 s2, s17  }
0x8e: {  	[smem:$0x3FC5] =	sst s2  }
0x8f: {  	_ = 	snop  }
0x90: {  	s2 =	sld [smem:$0x3FC9]  }
0x91: {  	s18 =	sld [smem:$0x3FD0];
	(tm) =	ssettm $0x1  }
0x92: {  	s4 =	sld [smem:$0x3FFB];
	_ =	sdelay $0x3  }
0x93: {  	_ =	strace s4  }
0x94: {  	s4 =	sld [smem:$0x3FFC];
	_ =	sdelay $0x3  }
0x95: {  	_ =	strace s4  }
0x96: {  	s4 =	sld [smem:$0x3FFD];
	_ =	sdelay $0x3  }
0x97: {  	_ =	strace s4  }
0x98: {  	_ =	strace $0x8FFFFFFF  }
0x99: {  	s19 =	sld [smem:$0x3FDB];
	_ =	sdelay $0x1  }
0x9a: {  	s5 =	simm.s32 $_scs_section_size  }
0x9b: {  	s6 =	simm.s32 $_size__tile_overlayer_lowered;
	s7 =	simm.s32 $_tile_overlayer_lowered  }
0x9c: {  	s22 =	simm.s32 $0x1BFF;
	s21 =	sshll.u32 s7, $0x1;
	s4 =	sadd.s32 s5, s19  }
0x9d: {  	s8 =	simm.s32 $0x0;
	s20 =	sshll.u32 s6, $0x1;
	s6 =	sadd.s32 s21, s4  }
0x9e: {  	[timem:s8], [sflag:s22] =	dma.local [hbm:s6], s20  }
0x9f: {  	_ =	swait.ge [sflag:s22], s20  }
0xa0: {  	s5 =	ssub.s32 $0x0, s20;
	[sflag:s22] =	ssyncset.done $0x0  }
0xa1: {  	[sflag:s22] =	ssyncadd.s32 s5;
	_ =	sdelay $0x1  }
0xa2: {  	s23 =	simm.s32 $0x1B8B  }
0xa3: {  	_ =	swait.ge [sflag:s23], $0x1  }
0xa4: {  	[sflag:s23] =	ssyncset.done $0x0  }
0xa5: {  	s25 =	simm.s32 $0x1B8E;
	s24 =	sld [smem:$0x3FFE];
	[sflag:s23] =	ssyncadd.s32 $0xFFFFFFFF  }
0xa6: {  	s26 =	simm.s32 $execute0_lowered;
	[smem:$0x3FD2] =	sst s25  }
0xa7: {  	s6 =	sshll.u32 s26, $0x1;
	_ =	strace $0x80000046;
	[dreg:$0x1] =	wrdreg $0xFFFFFFFF  }
0xa8: {  	s28 =	simm.s32 $_size_execute0_lowered;
	s4 =	sadd.s32 s4, s6;
	[dreg:$0x0] =	wrdreg $0x0  }
0xa9: {  	s6 =	sshll.u32 s28, $0x1;
	[dreg:$0x2] =	wrdreg s4  }
0xaa: {  	[dreg:$0x3] =	wrdreg s6  }
0xab: {  	[dreg:$0x4] =	wrdreg $0xC0  }
0xac: {  	_ =	task [dreg:s8], $0x5FFFF  }
0xad: {  	[dreg:$0x1] =	wrdreg $0xFFFFFFFF  }
0xae: {  	[dreg:$0x0] =	wrdreg $0x60  }
0xaf: {  	[dreg:$0x2] =	wrdreg s2  }
0xb0: {  	[dreg:$0x3] =	wrdreg s24  }
0xb1: {  	[dreg:$0x4] =	wrdreg s18  }
0xb2: {  	[dreg:$0x5] =	wrdreg $0x9  }
0xb3: {  	_ =	task.clear_ibuf [dreg:s8], $0x6FFFF;
	_ =	strace $0x90000046  }
0xb4: {  	s29 =	simm.s32 $0x9;
	_ =	strace $0x80000048  }
0xb5: {  	_ =	swait.ge [sflag:s29], $0x1  }
0xb6: {  	[sflag:s29] =	ssyncadd.s32 $0xFFFFFFFF  }
0xb7: {  	_ =	strace $0x90000048  }
0xb8: {  	_ =	sfence  }
0xb9: {  	s30 =	sld [smem:$0x0];
	_ =	sdelay $0x2  }
0xba: {  	s31 =	sshll.u32 s1, $0xD;
	s1 =	sshrl.u32 s1, $0x2  }
0xbb: {  	s3 =	sand.u32 $0x4000, s31;
	s1 =	sadd.s32 s1, s30  }
0xbc: {  	s0 =	sor.u32 s3, s0;
	s1 =	sshll.u32 s1, $0x11  }
0xbd: {  	s0 =	sor.u32 s1, s0  }
0xbe: {  	s0 =	sadd.s32 $0x8F2B, s0  }
0xbf: {  	[sflag:s0] =	ssyncadd.remote.s32 $0x1  }
0xc0: {  	_ =	sfence.sel $0xFFFF  }
0xc1: {  	[dreg:$0x0] =	wrdreg $0xFFFFFFFF;
	(pc) =	sbr.abs _section_cstart, $3  }
0xc2: {  	[dreg:$0x1] =	wrdreg $0xFFFFFFFF  }
0xc3: {  	_ =	task.clear_ibuf [dreg:s8], $0x2FFFF;
	_ =	strace $0x9FFFFFFF  }
0xc4: {  	(tm) =	ssettm $0x7FFFFFFF  }
0xc5: {  	_ =	shalt  }
tec
execute0_lowered:
.L_overlay_start_1:
0x0: {  	(tag) =	ssettag $0x1  }
0x1: {  	s0 =	rddreg [dreg:$0x0]  }
0x2: {  	s1 =	rddreg [dreg:$0x1]  }
0x3: {  	s4 =	rddreg [dreg:$0x2];
	s2 =	simm.s32 $0x0;
	s3 =	srdreg.scid  }
0x4: {  	s6 =	stileid.u32;
	s9 =	simm.s32 $0x4;
	s10 =	simm.s32 $0x1  }
0x5: {  	s11 =	simm.s32 $0x2;
	[smem:$0x7FF] =	sst s2;
	s5 =	sand.u32 $0x1, s3  }
0x6: {  	s6 =	sshll.u32 s6, $0xA;
	s3 =	sadd.s32 $0x1400, s1;
	s7 =	sshll.u32 s5, $0x9  }
0x7: {  	s1 =	sadd.s32 $0x50A00, s1;
	_ =	strace $0x80000047;
	s6 =	sor.u32 s7, s6  }
0x8: {  	s8 =	ssub.s32 $0x2, s5;
	[dreg:$0x4] =	wrdreg s1;
	s5 =	sadd.s32 s0, s6  }
0x9: {  	s12 =	sshrl.u32 s8, $0x1;
	s7 =	simm.s32 $0x3;
	s14 =	sadd.s32 $0x10, s5  }
0xa: {  	s13 =	ssub.s32 s8, s12;
	s15 =	sadd.s32 $0x20, s5;
	[dreg:$0x5] =	wrdreg s14  }
0xb: {  	s26 =	sshrl.u32 s6, $0x3;
	s16 =	sadd.s32 $0x30, s5;
	[dreg:$0x6] =	wrdreg s15  }
0xc: {  	s6 =	simm.s32 $0x400;
	s17 =	sadd.s32 $0x40, s5;
	[dreg:$0x7] =	wrdreg s16  }
0xd: {  	s8 =	simm.s32 $0x1A00;
	s18 =	sadd.s32 $0x50, s5;
	[dreg:$0x8] =	wrdreg s17  }
0xe: {  	s12 =	simm.s32 $0x6800;
	s19 =	sadd.s32 $0x60, s5;
	[dreg:$0x9] =	wrdreg s18  }
0xf: {  	s20 =	sadd.s32 $0x70, s5;
	s21 =	sadd.s32 $0x4000, s5;
	[dreg:$0xa] =	wrdreg s19  }
0x10: {  	s22 =	sadd.s32 $0x4010, s5;
	s23 =	sadd.s32 $0x4020, s5;
	[dreg:$0xb] =	wrdreg s20  }
0x11: {  	s24 =	sadd.s32 $0x4030, s5;
	s25 =	sadd.s32 $0x4040, s5;
	[dreg:$0xc] =	wrdreg s21  }
0x12: {  	s28 =	sadd.s32 $0x8040, s5;
	s29 =	sadd.s32 $0x8050, s5;
	[dreg:$0xd] =	wrdreg s22  }
0x13: {  	s30 =	sadd.s32 $0x8060, s5;
	s31 =	sadd.s32 $0x8070, s5;
	[dreg:$0xe] =	wrdreg s23  }
0x14: {  	s0 =	sadd.s32 $0xC000, s5;
	s1 =	sadd.s32 $0xC010, s5;
	[dreg:$0xf] =	wrdreg s24  }
0x15: {  	[dreg:$0x10] =	wrdreg s25;
	s18 =	sadd.s32 $0x4050, s5;
	s19 =	sadd.s32 $0x4060, s5  }
0x16: {  	s20 =	sadd.s32 $0x4070, s5;
	s21 =	sadd.s32 $0x8000, s5;
	s22 =	sadd.s32 $0x8010, s5  }
0x17: {  	s23 =	sadd.s32 s4, s26;
	s24 =	sadd.s32 $0x8020, s5;
	s25 =	smax.u32 s13, $0x1  }
0x18: {  	s26 =	sadd.s32 $0x8030, s5;
	s4 =	simm.s32 $0x80;
	s13 =	simm.s32 $0x0  }
.LBB2_1:
0x19: {  	[tilespmem:s2], [sflag:$0x3] =	stream.strided.gather [hbm4b:s5+s4], $0x200, s6, s4, $0x38;
	[tilespmem:$0x6A80] =	vst v63  }
0x1a: {  	s14 =	rddreg [dreg:$0x5];
	s15 =	simm.s32 $0x200  }
0x1b: {  	[tilespmem:s15], [sflag:$0x3] =	stream.strided.gather [hbm4b:s14+s4], $0x200, s6, s4, $0x38;
	[tilespmem:$0x6A80] =	vst v63  }
0x1c: {  	s15 =	rddreg [dreg:$0x6]  }
0x1d: {  	[tilespmem:s6], [sflag:$0x3] =	stream.strided.gather [hbm4b:s15+s4], $0x200, s6, s4, $0x38;
	[tilespmem:$0x6A80] =	vst v63  }
0x1e: {  	s16 =	rddreg [dreg:$0x7];
	s17 =	simm.s32 $0x600  }
0x1f: {  	[tilespmem:s17], [sflag:$0x3] =	stream.strided.gather [hbm4b:s16+s4], $0x200, s6, s4, $0x38;
	[tilespmem:$0x6A80] =	vst v63  }
0x20: {  	s16 =	rddreg [dreg:$0x8];
	s17 =	simm.s32 $0x800  }
0x21: {  	[tilespmem:s17], [sflag:$0x3] =	stream.strided.gather [hbm4b:s16+s4], $0x200, s6, s4, $0x38;
	[tilespmem:$0x6A80] =	vst v63  }
0x22: {  	s16 =	rddreg [dreg:$0x9];
	s17 =	simm.s32 $0xA00  }
0x23: {  	[tilespmem:s17], [sflag:$0x3] =	stream.strided.gather [hbm4b:s16+s4], $0x200, s6, s4, $0x38;
	[tilespmem:$0x6A80] =	vst v63  }
0x24: {  	s16 =	rddreg [dreg:$0xa];
	s17 =	simm.s32 $0xC00  }
0x25: {  	[tilespmem:s17], [sflag:$0x3] =	stream.strided.gather [hbm4b:s16+s4], $0x200, s6, s4, $0x38;
	[tilespmem:$0x6A80] =	vst v63  }
0x26: {  	s16 =	rddreg [dreg:$0xb];
	s17 =	simm.s32 $0xE00  }
0x27: {  	[tilespmem:s17], [sflag:$0x3] =	stream.strided.gather [hbm4b:s16+s4], $0x200, s6, s4, $0x38;
	[tilespmem:$0x6A80] =	vst v63  }
0x28: {  	s16 =	rddreg [dreg:$0xc];
	s17 =	simm.s32 $0x1000  }
0x29: {  	[tilespmem:s17], [sflag:$0x3] =	stream.strided.gather [hbm4b:s16+s4], $0x200, s6, s4, $0x38;
	[tilespmem:$0x6A80] =	vst v63  }
0x2a: {  	s16 =	rddreg [dreg:$0xd];
	s17 =	simm.s32 $0x1200  }
0x2b: {  	[tilespmem:s17], [sflag:$0x3] =	stream.strided.gather [hbm4b:s16+s4], $0x200, s6, s4, $0x38;
	[tilespmem:$0x6A80] =	vst v63  }
0x2c: {  	s16 =	rddreg [dreg:$0xe];
	s17 =	simm.s32 $0x1400  }
0x2d: {  	[tilespmem:s17], [sflag:$0x3] =	stream.strided.gather [hbm4b:s16+s4], $0x200, s6, s4, $0x38;
	[tilespmem:$0x6A80] =	vst v63  }
0x2e: {  	s16 =	rddreg [dreg:$0xf];
	s17 =	simm.s32 $0x1600  }
0x2f: {  	[tilespmem:s17], [sflag:$0x3] =	stream.strided.gather [hbm4b:s16+s4], $0x200, s6, s4, $0x38;
	[tilespmem:$0x6A80] =	vst v63  }
0x30: {  	s15 =	rddreg [dreg:$0x10];
	s16 =	simm.s32 $0x1800  }
0x31: {  	[tilespmem:s16], [sflag:$0x3] =	stream.strided.gather [hbm4b:s15+s4], $0x200, s6, s4, $0x38;
	[tilespmem:$0x6A80] =	vst v63  }
0x32: {  	_ =	swait.ge [sflag:s7], $0x200  }
0x33: {  	[sflag:s7] =	ssyncset.done $0x0  }
0x34: {  	[sflag:s7] =	ssyncadd.s32 $0xFFFFFE00  }
0x35: {  	_ =	swait.ge [sflag:s7], $0x200  }
0x36: {  	[sflag:s7] =	ssyncset.done $0x0  }
0x37: {  	[sflag:s7] =	ssyncadd.s32 $0xFFFFFE00  }
0x38: {  	_ =	swait.ge [sflag:s7], $0x200  }
0x39: {  	[sflag:s7] =	ssyncset.done $0x0  }
0x3a: {  	[sflag:s7] =	ssyncadd.s32 $0xFFFFFE00  }
0x3b: {  	_ =	swait.ge [sflag:s7], $0x200  }
0x3c: {  	[sflag:s7] =	ssyncset.done $0x0  }
0x3d: {  	[sflag:s7] =	ssyncadd.s32 $0xFFFFFE00  }
0x3e: {  	_ =	swait.ge [sflag:s7], $0x200  }
0x3f: {  	[sflag:s7] =	ssyncset.done $0x0  }
0x40: {  	[sflag:s7] =	ssyncadd.s32 $0xFFFFFE00  }
0x41: {  	_ =	swait.ge [sflag:s7], $0x200  }
0x42: {  	[sflag:s7] =	ssyncset.done $0x0  }
0x43: {  	[sflag:s7] =	ssyncadd.s32 $0xFFFFFE00  }
0x44: {  	_ =	swait.ge [sflag:s7], $0x200  }
0x45: {  	[sflag:s7] =	ssyncset.done $0x0  }
0x46: {  	[sflag:s7] =	ssyncadd.s32 $0xFFFFFE00  }
0x47: {  	_ =	swait.ge [sflag:s7], $0x200  }
0x48: {  	[sflag:s7] =	ssyncset.done $0x0  }
0x49: {  	[sflag:s7] =	ssyncadd.s32 $0xFFFFFE00  }
0x4a: {  	_ =	swait.ge [sflag:s7], $0x200  }
0x4b: {  	[sflag:s7] =	ssyncset.done $0x0  }
0x4c: {  	[sflag:s7] =	ssyncadd.s32 $0xFFFFFE00  }
0x4d: {  	_ =	swait.ge [sflag:s7], $0x200  }
0x4e: {  	[sflag:s7] =	ssyncset.done $0x0  }
0x4f: {  	[sflag:s7] =	ssyncadd.s32 $0xFFFFFE00  }
0x50: {  	_ =	swait.ge [sflag:s7], $0x200  }
0x51: {  	[sflag:s7] =	ssyncset.done $0x0  }
0x52: {  	[sflag:s7] =	ssyncadd.s32 $0xFFFFFE00  }
0x53: {  	_ =	swait.ge [sflag:s7], $0x200  }
0x54: {  	[sflag:s7] =	ssyncset.done $0x0  }
0x55: {  	[sflag:s7] =	ssyncadd.s32 $0xFFFFFE00  }
0x56: {  	_ =	swait.ge [sflag:s7], $0x200  }
0x57: {  	[sflag:s7] =	ssyncset.done $0x0  }
0x58: {  	s14 =	simm.s32 $0x3400;
	[sflag:s7] =	ssyncadd.s32 $0xFFFFFE00  }
0x59: {  	[tilespmem:s14], [sflag:$0x1] =	stream.indirect.gather [hbm4b:s3+s8], $0x1, s2, s8, $0xb8;
	[tilespmem:$0x6A80] =	vst v63  }
0x5a: {  	_ = 	snop  }
0x5b: {  	[tilespmem:s8], [sflag:$0x3] =	stream.strided.gather [hbm4b:s18+s4], $0x200, s6, s4, $0x38;
	[tilespmem:$0x6A80] =	vst v63  }
0x5c: {  	s17 =	simm.s32 $0x1C00  }
0x5d: {  	[tilespmem:s17], [sflag:$0x3] =	stream.strided.gather [hbm4b:s19+s4], $0x200, s6, s4, $0x38;
	[tilespmem:$0x6A80] =	vst v63  }
0x5e: {  	s16 =	simm.s32 $0x1E00  }
0x5f: {  	[tilespmem:s16], [sflag:$0x3] =	stream.strided.gather [hbm4b:s20+s4], $0x200, s6, s4, $0x38;
	[tilespmem:$0x6A80] =	vst v63  }
0x60: {  	s17 =	simm.s32 $0x2000  }
0x61: {  	[tilespmem:s17], [sflag:$0x3] =	stream.strided.gather [hbm4b:s21+s4], $0x200, s6, s4, $0x38;
	[tilespmem:$0x6A80] =	vst v63  }
0x62: {  	s16 =	simm.s32 $0x2200  }
0x63: {  	[tilespmem:s16], [sflag:$0x3] =	stream.strided.gather [hbm4b:s22+s4], $0x200, s6, s4, $0x38;
	[tilespmem:$0x6A80] =	vst v63  }
0x64: {  	s17 =	simm.s32 $0x2400  }
0x65: {  	[tilespmem:s17], [sflag:$0x3] =	stream.strided.gather [hbm4b:s24+s4], $0x200, s6, s4, $0x38;
	[tilespmem:$0x6A80] =	vst v63  }
0x66: {  	s16 =	simm.s32 $0x2600  }
0x67: {  	[tilespmem:s16], [sflag:$0x3] =	stream.strided.gather [hbm4b:s26+s4], $0x200, s6, s4, $0x38;
	[tilespmem:$0x6A80] =	vst v63  }
0x68: {  	s17 =	simm.s32 $0x2800  }
0x69: {  	[tilespmem:s17], [sflag:$0x3] =	stream.strided.gather [hbm4b:s28+s4], $0x200, s6, s4, $0x38;
	[tilespmem:$0x6A80] =	vst v63  }
0x6a: {  	s16 =	simm.s32 $0x2A00  }
0x6b: {  	[tilespmem:s16], [sflag:$0x3] =	stream.strided.gather [hbm4b:s29+s4], $0x200, s6, s4, $0x38;
	[tilespmem:$0x6A80] =	vst v63  }
0x6c: {  	s17 =	simm.s32 $0x2C00  }
0x6d: {  	[tilespmem:s17], [sflag:$0x3] =	stream.strided.gather [hbm4b:s30+s4], $0x200, s6, s4, $0x38;
	[tilespmem:$0x6A80] =	vst v63  }
0x6e: {  	s16 =	simm.s32 $0x2E00  }
0x6f: {  	[tilespmem:s16], [sflag:$0x3] =	stream.strided.gather [hbm4b:s31+s4], $0x200, s6, s4, $0x38;
	[tilespmem:$0x6A80] =	vst v63  }
0x70: {  	s17 =	simm.s32 $0x3000  }
0x71: {  	[tilespmem:s17], [sflag:$0x3] =	stream.strided.gather [hbm4b:s0+s4], $0x200, s6, s4, $0x38;
	[tilespmem:$0x6A80] =	vst v63  }
0x72: {  	s16 =	simm.s32 $0x3200  }
0x73: {  	[tilespmem:s16], [sflag:$0x3] =	stream.strided.gather [hbm4b:s1+s4], $0x200, s6, s4, $0x38;
	[tilespmem:$0x6A80] =	vst v63  }
0x74: {  	_ =	swait.ge [sflag:s7], $0x200  }
0x75: {  	[sflag:s7] =	ssyncset.done $0x0  }
0x76: {  	[sflag:s7] =	ssyncadd.s32 $0xFFFFFE00  }
0x77: {  	_ =	swait.ge [sflag:s7], $0x200  }
0x78: {  	[sflag:s7] =	ssyncset.done $0x0  }
0x79: {  	[sflag:s7] =	ssyncadd.s32 $0xFFFFFE00  }
0x7a: {  	_ =	swait.ge [sflag:s7], $0x200  }
0x7b: {  	[sflag:s7] =	ssyncset.done $0x0  }
0x7c: {  	[sflag:s7] =	ssyncadd.s32 $0xFFFFFE00  }
0x7d: {  	_ =	swait.ge [sflag:s7], $0x200  }
0x7e: {  	[sflag:s7] =	ssyncset.done $0x0  }
0x7f: {  	[sflag:s7] =	ssyncadd.s32 $0xFFFFFE00  }
0x80: {  	_ =	swait.ge [sflag:s7], $0x200  }
0x81: {  	[sflag:s7] =	ssyncset.done $0x0  }
0x82: {  	[sflag:s7] =	ssyncadd.s32 $0xFFFFFE00  }
0x83: {  	_ =	swait.ge [sflag:s7], $0x200  }
0x84: {  	[sflag:s7] =	ssyncset.done $0x0  }
0x85: {  	[sflag:s7] =	ssyncadd.s32 $0xFFFFFE00  }
0x86: {  	_ =	swait.ge [sflag:s7], $0x200  }
0x87: {  	[sflag:s7] =	ssyncset.done $0x0  }
0x88: {  	[sflag:s7] =	ssyncadd.s32 $0xFFFFFE00  }
0x89: {  	_ =	swait.ge [sflag:s7], $0x200  }
0x8a: {  	[sflag:s7] =	ssyncset.done $0x0  }
0x8b: {  	[sflag:s7] =	ssyncadd.s32 $0xFFFFFE00  }
0x8c: {  	_ =	swait.ge [sflag:s7], $0x200  }
0x8d: {  	[sflag:s7] =	ssyncset.done $0x0  }
0x8e: {  	[sflag:s7] =	ssyncadd.s32 $0xFFFFFE00  }
0x8f: {  	_ =	swait.ge [sflag:s7], $0x200  }
0x90: {  	[sflag:s7] =	ssyncset.done $0x0  }
0x91: {  	[sflag:s7] =	ssyncadd.s32 $0xFFFFFE00  }
0x92: {  	_ =	swait.ge [sflag:s7], $0x200  }
0x93: {  	[sflag:s7] =	ssyncset.done $0x0  }
0x94: {  	[sflag:s7] =	ssyncadd.s32 $0xFFFFFE00  }
0x95: {  	_ =	swait.ge [sflag:s7], $0x200  }
0x96: {  	[sflag:s7] =	ssyncset.done $0x0  }
0x97: {  	[sflag:s7] =	ssyncadd.s32 $0xFFFFFE00  }
0x98: {  	_ =	swait.ge [sflag:s7], $0x200  }
0x99: {  	[sflag:s7] =	ssyncset.done $0x0  }
0x9a: {  	s16 =	simm.s32 $0x6A00;
	s17 =	rddreg [dreg:$0x4];
	[sflag:s7] =	ssyncadd.s32 $0xFFFFFE00  }
0x9b: {  	[tilespmem:s16], [sflag:$0x4] =	stream.linear.gather [hbm4b:s17+s2], $0x80, $0x38;
	[tilespmem:$0x6A80] =	vst v63  }
0x9c: {  	_ =	swait.ge [sflag:s9], $0x80  }
0x9d: {  	[sflag:s9] =	ssyncset.done $0x0  }
0x9e: {  	s17 =	simm.s32 $0x4E00;
	[sflag:s9] =	ssyncadd.s32 $0xFFFFFF80  }
0x9f: {  	[tilespmem:s17], [sflag:$0x2] =	stream.indirect.gather [hbm4b:s3+s8], $0x1, s8, s8, $0xb8;
	[tilespmem:$0x6A80] =	vst v63  }
0xa0: {  	v0 =	vld [tilespmem:$0x6A00];
	_ =	swait.ge [sflag:s10], $0x1A00  }
0xa1: {  	[sflag:s10] =	ssyncset.done $0x0  }
0xa2: {  	s16 =	sand.u32 $0x1F0, s2;
	[sflag:s10] =	ssyncadd.s32 $0xFFFFE600  }
0xa3: {  	v1 =	vld [tilespmem:s16+$0x3600]  }
0xa4: {  	v2 =	vld [tilespmem:s16+$0x3800]  }
0xa5: {  	v3 =	vld [tilespmem:s14+$0x0]  }
0xa6: {  	v4 =	vld [tilespmem:s16+$0x3A00]  }
0xa7: {  	v5 =	vld [tilespmem:s16+$0x3C00]  }
0xa8: {  	v6 =	vld [tilespmem:s16+$0x3E00]  }
0xa9: {  	v7 =	vld [tilespmem:s16+$0x4000]  }
0xaa: {  	v8 =	vld [tilespmem:s16+$0x4200];
	v1 =	vadd.f32 v1, v0;
	v2 =	vadd.f32 v2, v3  }
0xab: {  	v3 =	vld [tilespmem:s16+$0x4400]  }
0xac: {  	v60 =	vld [tilespmem:s16+$0x4600];
	v1 =	vadd.f32 v4, v1;
	v2 =	vadd.f32 v5, v2  }
0xad: {  	v61 =	vld [tilespmem:s16+$0x4800]  }
0xae: {  	v62 =	vld [tilespmem:s16+$0x4A00];
	v1 =	vadd.f32 v6, v1;
	v2 =	vadd.f32 v7, v2  }
0xaf: {  	v63 =	vld [tilespmem:s16+$0x4C00]  }
0xb0: {  	v1 =	vadd.f32 v8, v1;
	v2 =	vadd.f32 v3, v2;
	_ =	sdelay $0x1  }
0xb1: {  	v1 =	vadd.f32 v60, v1;
	v2 =	vadd.f32 v61, v2;
	_ =	sdelay $0x1  }
0xb2: {  	v1 =	vadd.f32 v62, v1;
	v2 =	vadd.f32 v63, v2;
	_ =	sdelay $0x1  }
0xb3: {  	v1 =	vadd.f32 v2, v1  }
0xb4: {  	s17 =	simm.s32 $0x10  }
0xb5: {  	s15 =	sand.u32 $0x1F0, s17;
	[tilespmem:s12+$0x0] =	vst v1  }
0xb6: {  	v2 =	vld [tilespmem:s15+$0x3600]  }
0xb7: {  	s17 =	simm.s32 $0x20;
	s14 =	simm.s32 $0x6800;
	s16 =	simm.s32 $0x3410;
	v1 =	vld [tilespmem:s15+$0x3800]  }
.LBB2_2:
0xb8: {  	p0 =	sne.s32 s17, $0x1F0;
	v3 =	vld [tilespmem:s16+$0x0]  }
0xb9: {  	v4 =	vld [tilespmem:s15+$0x3A00]  }
0xba: {  	v5 =	vld [tilespmem:s15+$0x3C00]  }
0xbb: {  	v6 =	vld [tilespmem:s15+$0x3E00]  }
0xbc: {  	v7 =	vld [tilespmem:s15+$0x4000]  }
0xbd: {  	v2 =	vadd.f32 v2, v0;
	v8 =	vld [tilespmem:s15+$0x4200];
	v1 =	vadd.f32 v1, v3  }
0xbe: {  	v3 =	vld [tilespmem:s15+$0x4400]  }
0xbf: {  	v2 =	vadd.f32 v4, v2;
	v4 =	vld [tilespmem:s15+$0x4600];
	v1 =	vadd.f32 v5, v1  }
0xc0: {  	v5 =	vld [tilespmem:s15+$0x4800]  }
0xc1: {  	v2 =	vadd.f32 v6, v2;
	v6 =	vld [tilespmem:s15+$0x4A00];
	v1 =	vadd.f32 v7, v1  }
0xc2: {  	v7 =	vld [tilespmem:s15+$0x4C00]  }
0xc3: {  	v2 =	vadd.f32 v8, v2;
	v1 =	vadd.f32 v3, v1;
	_ =	sdelay $0x1  }
0xc4: {  	v2 =	vadd.f32 v4, v2;
	v1 =	vadd.f32 v5, v1;
	_ =	sdelay $0x1  }
0xc5: {  	v2 =	vadd.f32 v6, v2;
	v1 =	vadd.f32 v7, v1;
	_ =	sdelay $0x1  }
.Ltmp0:
0xc6: {  	v1 =	vadd.f32 v1, v2;
	(pc) =	sbr.rel @p0 .LBB2_2-.Ltmp0, $4  }
0xc7: {  	s14 =	sadd.s32 $0x10, s14  }
0xc8: {  	s15 =	sand.u32 $0x1F0, s17;
	[tilespmem:s14+$0x0] =	vst v1  }
0xc9: {  	v2 =	vld [tilespmem:s15+$0x3600]  }
0xca: {  	s16 =	sadd.s32 $0x10, s16;
	s17 =	sadd.s32 $0x10, s17;
	v1 =	vld [tilespmem:s15+$0x3800]  }
0xcb: {  	v3 =	vld [tilespmem:s16+$0x0]  }
0xcc: {  	v4 =	vld [tilespmem:s15+$0x3A00]  }
0xcd: {  	v5 =	vld [tilespmem:s15+$0x3C00]  }
0xce: {  	v6 =	vld [tilespmem:s15+$0x3E00]  }
0xcf: {  	v7 =	vld [tilespmem:s15+$0x4000]  }
0xd0: {  	v0 =	vadd.f32 v2, v0;
	v2 =	vld [tilespmem:s15+$0x4200];
	v1 =	vadd.f32 v1, v3  }
0xd1: {  	v3 =	vld [tilespmem:s15+$0x4400]  }
0xd2: {  	v60 =	vld [tilespmem:s15+$0x4600];
	v0 =	vadd.f32 v4, v0;
	v1 =	vadd.f32 v5, v1  }
0xd3: {  	v61 =	vld [tilespmem:s15+$0x4800]  }
0xd4: {  	v62 =	vld [tilespmem:s15+$0x4A00];
	v0 =	vadd.f32 v6, v0;
	v1 =	vadd.f32 v7, v1  }
0xd5: {  	v63 =	vld [tilespmem:s15+$0x4C00]  }
0xd6: {  	v0 =	vadd.f32 v2, v0;
	v1 =	vadd.f32 v3, v1;
	_ =	sdelay $0x1  }
0xd7: {  	v0 =	vadd.f32 v60, v0;
	v1 =	vadd.f32 v61, v1;
	_ =	sdelay $0x1  }
0xd8: {  	v0 =	vadd.f32 v62, v0;
	v1 =	vadd.f32 v63, v1;
	_ =	sdelay $0x1  }
0xd9: {  	v0 =	vadd.f32 v1, v0  }
0xda: {  	s14 =	sadd.s32 $0x10, s14  }
0xdb: {  	[tilespmem:s14+$0x0] =	vst v0  }
0xdc: {  	_ =	swait.ge [sflag:s11], $0x1A00  }
0xdd: {  	s17 =	simm.s32 $0x0;
	[sflag:s11] =	ssyncset.done $0x0  }
0xde: {  	s15 =	sand.u32 $0x1F0, s17;
	[sflag:s11] =	ssyncadd.s32 $0xFFFFE600  }
0xdf: {  	s14 =	simm.s32 $0x6800;
	v0 =	vld [tilespmem:s15+$0x5000]  }
0xe0: {  	v2 =	vld [tilespmem:s14+$0x0]  }
0xe1: {  	s16 =	simm.s32 $0x10;
	v1 =	vld [tilespmem:s15+$0x4E00]  }
.LBB2_4:
0xe2: {  	p0 =	sne.s32 s16, $0x1F0;
	v3 =	vld [tilespmem:s15+$0x5200]  }
0xe3: {  	v4 =	vld [tilespmem:s15+$0x5400]  }
0xe4: {  	v5 =	vld [tilespmem:s15+$0x5600]  }
0xe5: {  	v6 =	vld [tilespmem:s15+$0x5800]  }
0xe6: {  	v7 =	vld [tilespmem:s15+$0x5A00]  }
0xe7: {  	v0 =	vadd.f32 v0, v2;
	v2 =	vld [tilespmem:s15+$0x5C00];
	v1 =	vadd.f32 v3, v1  }
0xe8: {  	v3 =	vld [tilespmem:s15+$0x5E00]  }
0xe9: {  	v0 =	vadd.f32 v4, v0;
	v4 =	vld [tilespmem:s15+$0x6000];
	v1 =	vadd.f32 v5, v1  }
0xea: {  	v5 =	vld [tilespmem:s15+$0x6200]  }
0xeb: {  	v0 =	vadd.f32 v6, v0;
	v6 =	vld [tilespmem:s15+$0x6400];
	v1 =	vadd.f32 v7, v1  }
0xec: {  	v7 =	vld [tilespmem:s15+$0x6600]  }
0xed: {  	v0 =	vadd.f32 v2, v0;
	v1 =	vadd.f32 v3, v1;
	_ =	sdelay $0x1  }
0xee: {  	v0 =	vadd.f32 v4, v0;
	v1 =	vadd.f32 v5, v1;
	_ =	sdelay $0x1  }
0xef: {  	v0 =	vadd.f32 v6, v0;
	v1 =	vadd.f32 v7, v1;
	_ =	sdelay $0x1  }
0xf0: {  	v0 =	vadd.f32 v1, v0  }
.Ltmp1:
0xf1: {  	(pc) =	sbr.rel @p0 .LBB2_4-.Ltmp1, $4  }
0xf2: {  	s15 =	sand.u32 $0x1F0, s16;
	[tilespmem:s14+$0x0] =	vst v0  }
0xf3: {  	s14 =	sadd.s32 $0x10, s14;
	v0 =	vld [tilespmem:s15+$0x5000]  }
0xf4: {  	v2 =	vld [tilespmem:s14+$0x0]  }
0xf5: {  	s16 =	sadd.s32 $0x10, s16;
	v1 =	vld [tilespmem:s15+$0x4E00]  }
0xf6: {  	v3 =	vld [tilespmem:s15+$0x5200]  }
0xf7: {  	v4 =	vld [tilespmem:s15+$0x5400]  }
0xf8: {  	v5 =	vld [tilespmem:s15+$0x5600]  }
0xf9: {  	v6 =	vld [tilespmem:s15+$0x5800]  }
0xfa: {  	v7 =	vld [tilespmem:s15+$0x5A00]  }
0xfb: {  	v58 =	vld [tilespmem:s15+$0x5C00];
	v0 =	vadd.f32 v0, v2;
	v1 =	vadd.f32 v3, v1  }
0xfc: {  	v59 =	vld [tilespmem:s15+$0x5E00]  }
0xfd: {  	v60 =	vld [tilespmem:s15+$0x6000];
	v0 =	vadd.f32 v4, v0;
	v1 =	vadd.f32 v5, v1  }
0xfe: {  	v61 =	vld [tilespmem:s15+$0x6200]  }
0xff: {  	v62 =	vld [tilespmem:s15+$0x6400];
	v0 =	vadd.f32 v6, v0;
	v1 =	vadd.f32 v7, v1  }
0x100: {  	v63 =	vld [tilespmem:s15+$0x6600]  }
0x101: {  	v0 =	vadd.f32 v58, v0;
	v1 =	vadd.f32 v59, v1;
	_ =	sdelay $0x1  }
0x102: {  	v0 =	vadd.f32 v60, v0;
	v1 =	vadd.f32 v61, v1;
	_ =	sdelay $0x1  }
0x103: {  	v0 =	vadd.f32 v62, v0;
	v1 =	vadd.f32 v63, v1;
	_ =	sdelay $0x1  }
0x104: {  	s13 =	sadd.s32 $0x1, s13;
	v0 =	vadd.f32 v1, v0  }
0x105: {  	p0 =	sne.s32 s13, s25  }
.Ltmp2:
0x106: {  	[tilespmem:s14+$0x0] =	vst v0;
	(pc) =	sbr.rel @p0 .LBB2_1-.Ltmp2, $4  }
0x107: {  	[hbm4b:s23+s2] =	stream.linear.scatter [tilespmem:s12], [sflag:$0x4], $0x200, $0x38;
	[tilespmem:$0x6A80] =	vst v63  }
0x108: {  	_ =	swait.ge [sflag:s9], $0x200  }
0x109: {  	[sflag:s9] =	ssyncset.done $0x0  }
0x10a: {  	[sflag:s9] =	ssyncadd.s32 $0xFFFFFE00  }
0x10b: {  	_ =	sfence.sel $0x180000  }
0x10c: {  	[bflag:$0x0] =	sbarrier.arrive $0xFFFF  }
0x10d: {  	_ =	strace $0x90000047  }
0x10e: {  	s0 =	stileid.u32;
	[bflag:$0x2] =	sbarrier.arrive $0xFFFF  }
0x10f: {  	p0 =	sne.s32 s0, $0x0;
	s0 =	rddreg [dreg:$0x3]  }
0x110: {  	s0 =	sadd.s32 @!p0 $0x100000, s0  }
0x111: {  	[sflag:s0] =	ssyncadd.tile.s32 @!p0 $0x1;
	_ =	shalt  }
.Lfunc_end2:
_tile_overlayer_lowered:
.L_overlay_start_2:
0x112: {  	(tag) =	ssettag $0x2  }
0x113: {  	s0 =	rddreg [dreg:$0x0];
	s2 =	stileid.u32  }
0x114: {  	s1 =	rddreg [dreg:$0x1];
	p0 =	sne.s32 s2, $0x0  }
0x115: {  	s3 =	rddreg [dreg:$0x2];
	[bflag:$0x3] =	sbarrier.arrive $0xFFFF;
	s2 =	simm.s32 @!p0 $0x1C04  }
0x116: {  	[timem:s3], [sflag:s2] =	dma.local @!p0 [hbm:s0], s1  }
0x117: {  	s0 =	simm.s32 @!p0 $0x4  }
0x118: {  	_ =	swait.ge @!p0 [sflag:s0], s1  }
0x119: {  	s1 =	ssub.s32 @!p0 $0x0, s1;
	[sflag:s0] =	ssyncset.done @!p0 $0x0  }
0x11a: {  	[sflag:s0] =	ssyncadd.s32 @!p0 s1  }
0x11b: {  	[bflag:$0x3] =	sbarrier.arrive $0xFFFF  }
0x11c: {  	_ =	shalt  }

</sc_bundles>
